<compile_context>
chip_gen: v7x
topology: tpu7x:2x2x1
jax: 0.10.2.dev20260603
libtpu: 0.0.44.dev20260713+nightly
codegen_flags: <defaults>
</compile_context>

<pallas_src>
import functools

import jax
import jax.numpy as jnp
from jax import lax
from jax.experimental import pallas as pl
from jax.experimental.pallas import tpu as pltpu
from jax.experimental.pallas import tpu_sc as plsc

B = 16384
D = 32
L = 16
N_USERS = 1000000
N_TAIL = N_USERS % 128
TAIL0 = N_USERS - N_TAIL
U_PAD = TAIL0 + 128

_info = plsc.get_sparse_core_info()
_NC, _NS = _info.num_cores, _info.num_subcores
NW = _NC * _NS
B_PER_W = B // NW
N_GROUPS = B_PER_W // L

WIN = 512
LANES_PER_W = 31232
N_WIN = 62


def _conv_body(uf3_hbm, uf_tail_hbm, urows_hbm,
               sbuf0, sbuf1, wbuf0, wbuf1,
               sin0, sin1, sout0, sout1):
    wid = lax.axis_index("s") * _NC + lax.axis_index("c")
    lane_base = wid * LANES_PER_W

    sbufs = (sbuf0, sbuf1)
    wbufs = (wbuf0, wbuf1)
    sins = (sin0, sin1)
    souts = (sout0, sout1)

    lanes = lax.iota(jnp.int32, L)

    def start_in(win, slot):
        lane0 = pl.multiple_of(lane_base + win * WIN, 128)
        return pltpu.async_copy(
            uf3_hbm.at[slice(None), slice(None), pl.ds(lane0, WIN)],
            sbufs[slot], sins[slot])

    def transpose_window(islot, oslot):
        sbuf = sbufs[islot]
        wbuf = wbufs[oslot]

        def group(g, carry):
            rows = g * L + lanes
            flat0 = rows * D
            vs = [
                plsc.load_gather(
                    sbuf,
                    [jnp.full((L,), c // 8, jnp.int32),
                     jnp.full((L,), c % 8, jnp.int32),
                     rows])
                for c in range(D)
            ]
            for c in range(D):
                plsc.store_scatter(wbuf, [flat0 + c], vs[c])
            return carry

        lax.fori_loop(0, WIN // L, group, 0)

    def start_out(win, slot):
        lane0 = pl.multiple_of(lane_base + win * WIN, 128)
        return pltpu.async_copy(
            wbufs[slot], urows_hbm.at[pl.ds(lane0 * D, WIN * D)],
            souts[slot])

    def drain_in(slot):
        pltpu.make_async_copy(
            uf3_hbm.at[slice(None), slice(None), pl.ds(0, WIN)],
            sbufs[slot], sins[slot]).wait()

    def drain_out(slot):
        pltpu.make_async_copy(
            wbufs[slot], urows_hbm.at[pl.ds(0, WIN * D)], souts[slot]).wait()

    start_in(0, 0)
    start_in(1, 1)

    def six(p, carry):
        for b in range(2):
            win = 2 * p + b
            islot = b
            oslot = b
            drain_in(islot)

            @pl.when(win >= 2)
            def _():
                drain_out(oslot)

            transpose_window(islot, oslot)
            start_out(win, oslot)

            @pl.when(win + 2 < N_WIN)
            def _():
                start_in(win + 2, islot)
        return carry

    lax.fori_loop(0, N_WIN // 2, six, 0)
    drain_out(0)
    drain_out(1)

    @pl.when(wid == 0)
    def _():
        pltpu.sync_copy(uf_tail_hbm, wbuf0.at[pl.ds(0, 128 * D)])
        pltpu.sync_copy(wbuf0.at[pl.ds(0, 128 * D)],
                        urows_hbm.at[pl.ds(TAIL0 * D, 128 * D)])


@functools.partial(jax.jit, donate_argnums=())
def _convert(uf3, uf_tail):
    mesh = plsc.VectorSubcoreMesh(core_axis_name="c", subcore_axis_name="s")
    k = functools.partial(
        pl.kernel,
        mesh=mesh,
        out_type=jax.ShapeDtypeStruct((U_PAD * D,), jnp.float32),
        compiler_params=pltpu.CompilerParams(
            needs_layout_passes=False,
        ),
        scratch_types=[
            pltpu.VMEM((4, 8, WIN), jnp.float32),
            pltpu.VMEM((4, 8, WIN), jnp.float32),
            pltpu.VMEM((WIN * D,), jnp.float32),
            pltpu.VMEM((WIN * D,), jnp.float32),
            pltpu.SemaphoreType.DMA,
            pltpu.SemaphoreType.DMA,
            pltpu.SemaphoreType.DMA,
            pltpu.SemaphoreType.DMA,
        ],
    )(_conv_body)
    return k(uf3, uf_tail)


def _dot_body(uid_hbm, aid_hbm, uf_hbm, gf_hbm, ub_hbm, gb_hbm, out_hbm,
              uid_v, aid_v, urow_v, grow_v, ubias_v, gbias_v, out_v,
              sem_u, sem_g, sem_ub, sem_gb):
    wid = lax.axis_index("s") * _NC + lax.axis_index("c")
    base = wid * B_PER_W

    pltpu.sync_copy(uid_hbm.at[pl.ds(base, B_PER_W)], uid_v)
    pltpu.sync_copy(aid_hbm.at[pl.ds(base, B_PER_W)], aid_v)

    cp_ub = pltpu.async_copy(ub_hbm.at[uid_v], ubias_v, sem_ub)
    cp_gb = pltpu.async_copy(gb_hbm.at[aid_v], gbias_v, sem_gb)

    lanes = lax.iota(jnp.int32, L)
    HALF = B_PER_W // 2

    for h in range(2):
        cp_u = pltpu.async_copy(
            uf_hbm.at[uid_v.at[pl.ds(h * HALF, HALF)]], urow_v, sem_u)
        cp_g = pltpu.async_copy(
            gf_hbm.at[aid_v.at[pl.ds(h * HALF, HALF)]], grow_v, sem_g)
        cp_u.wait()
        cp_g.wait()
        if h == 0:
            cp_ub.wait()
            cp_gb.wait()

        def group(grp, carry):
            row0 = grp * L
            row_idx = lanes + row0
            b0 = h * HALF + row0
            acc = ubias_v[pl.ds(b0, L)] + gbias_v[pl.ds(b0, L)]
            for j in range(D):
                col_idx = jnp.full((L,), j, jnp.int32)
                u = plsc.load_gather(urow_v, [row_idx, col_idx])
                g = plsc.load_gather(grow_v, [row_idx, col_idx])
                acc = acc + u * g
            out_v[pl.ds(b0, L)] = jnp.maximum(acc, 0.0)
            return carry

        lax.fori_loop(0, HALF // L, group, 0)

    pltpu.sync_copy(out_v, out_hbm.at[pl.ds(base, B_PER_W)])


@jax.jit
def _run(user_ids, app_ids, urows, game_factors, user_bias, game_bias):
    mesh = plsc.VectorSubcoreMesh(core_axis_name="c", subcore_axis_name="s")
    k = functools.partial(
        pl.kernel,
        mesh=mesh,
        out_type=jax.ShapeDtypeStruct((B,), jnp.float32),
        compiler_params=pltpu.CompilerParams(
            use_tc_tiling_on_sc=False,
            needs_layout_passes=False,
        ),
        scratch_types=[
            pltpu.VMEM((B_PER_W,), jnp.int32),
            pltpu.VMEM((B_PER_W,), jnp.int32),
            pltpu.VMEM((B_PER_W // 2, D), jnp.float32),
            pltpu.VMEM((B_PER_W // 2, D), jnp.float32),
            pltpu.VMEM((B_PER_W,), jnp.float32),
            pltpu.VMEM((B_PER_W,), jnp.float32),
            pltpu.VMEM((B_PER_W,), jnp.float32),
            pltpu.SemaphoreType.DMA,
            pltpu.SemaphoreType.DMA,
            pltpu.SemaphoreType.DMA,
            pltpu.SemaphoreType.DMA,
        ],
    )(_dot_body)
    return k(user_ids, app_ids, urows, game_factors, user_bias, game_bias)


def kernel(user_ids, app_ids, user_factors, game_factors, user_bias, game_bias):
    uf3 = user_factors.T.reshape(4, 8, N_USERS)
    uf_tail = jnp.concatenate(
        [user_factors[TAIL0:], jnp.zeros((128 - N_TAIL, D), jnp.float32)])
    urows = _convert(uf3, uf_tail.reshape(-1)).reshape(U_PAD, D)
    return _run(user_ids, app_ids, urows, game_factors, user_bias, game_bias)

# --- scband reference (transcript-rebuilt; emitter-appended) ---
"""Pipeline reference for scband-dot-product-bias-34256659152962 (READ-ONLY COPY).

The authoritative reference and input builder live on the scoring server;
editing this copy changes nothing except your own understanding.
"""

import jax, jax.numpy as jnp
import numpy as np

N_USERS = 1000000
N_GAMES = 100000
EMBED_DIM = 32
BATCH = 16384

def setup_inputs(seed: int = 0) -> dict:
    key = jax.random.key(seed)
    k1, k2, k3, k4, k5, k6 = jax.random.split(key, 6)
    user_ids = jax.random.randint(k1, (BATCH,), 0, N_USERS, dtype=jnp.int64 if jax.config.jax_enable_x64 else jnp.int32)
    app_ids = jax.random.randint(k2, (BATCH,), 0, N_GAMES, dtype=jnp.int64 if jax.config.jax_enable_x64 else jnp.int32)
    user_factors = jax.random.normal(k3, (N_USERS, EMBED_DIM), dtype=jnp.float32) * 0.01
    game_factors = jax.random.normal(k4, (N_GAMES, EMBED_DIM), dtype=jnp.float32) * 0.01
    user_bias = jax.random.normal(k5, (N_USERS,), dtype=jnp.float32) * 0.01
    game_bias = jax.random.normal(k6, (N_GAMES,), dtype=jnp.float32) * 0.01
    return {
        "user_ids": user_ids,
        "app_ids": app_ids,
        "user_factors": user_factors,
        "game_factors": game_factors,
        "user_bias": user_bias,
        "game_bias": game_bias,
    }

def reference(user_ids, app_ids, user_factors, game_factors, user_bias, game_bias):
    user_embeddings = jnp.take(user_factors, user_ids, axis=0)
    game_embeddings = jnp.take(game_factors, app_ids, axis=0)
    res = (user_embeddings * game_embeddings).sum(axis=1)
    res = res + jnp.take(user_bias, user_ids, axis=0) + jnp.take(game_bias, app_ids, axis=0)
    return jax.nn.relu(res)

if __name__ == "__main__":
    import jax
    _d = setup_inputs()
    print(jax.jit(kernel)(*tuple(_d.values())))

</pallas_src>

<mosaic_0001>
#map = affine_map<(d0, d1) -> (0, 0, 0)>
#map1 = affine_map<(d0, d1) -> (0)>
module attributes {stable_mosaic.version = 14 : i64} {
  func.func @_conv_body(%arg0: i32, %arg1: i32, %arg2: memref<4x8x1000000xf32, #tpu.memory_space<hbm>>, %arg3: memref<4096xf32, #tpu.memory_space<hbm>>, %arg4: memref<32002048xf32, #tpu.memory_space<hbm>>, %arg5: memref<4x8x512xf32, #tpu.memory_space<vmem>>, %arg6: memref<4x8x512xf32, #tpu.memory_space<vmem>>, %arg7: memref<16384xf32, #tpu.memory_space<vmem>>, %arg8: memref<16384xf32, #tpu.memory_space<vmem>>, %arg9: memref<!tpu.dma_semaphore, #tpu.memory_space<semaphore_mem>>, %arg10: memref<!tpu.dma_semaphore, #tpu.memory_space<semaphore_mem>>, %arg11: memref<!tpu.dma_semaphore, #tpu.memory_space<semaphore_mem>>, %arg12: memref<!tpu.dma_semaphore, #tpu.memory_space<semaphore_mem>>) attributes {dimension_semantics = [#tpu.dimension_semantics<core_parallel>, #tpu.dimension_semantics<subcore_parallel>], iteration_bounds = array<i64: 2, 16>, scalar_prefetch = 0 : i64, scratch_operands = 8 : i64, tpu.core_type = #tpu.core_type<sc_vector_subcore>, window_params = [{transform_indices = #map}, {transform_indices = #map1}, {transform_indices = #map1}]} {
    %mul3A = arith.constant 2 : i32
    %mul3A_0 = arith.muli %arg1, %mul3A : i32
    %add3A = arith.addi %mul3A_0, %arg0 : i32
    %mul3A_1 = arith.constant 31232 : i32
    %mul3A_2 = arith.muli %add3A, %mul3A_1 : i32
    %iota3A = tpu.iota {dimensions = array<i32: 0>} : vector<16xi32>
    %add3A_3 = arith.constant 0 : i32
    %add3A_4 = arith.addi %mul3A_2, %add3A_3 : i32
    %multiple_of3A = tpu.assume_multiple %add3A_4, 128 : i32
    %dma_start3A = arith.constant 0 : i32
    %dma_start3A_5 = arith.constant 0 : i32
    %dma_start3A_6 = tpu.memref_slice %arg2[%dma_start3A, %dma_start3A_5, %multiple_of3A] : memref<4x8x1000000xf32, #tpu.memory_space<hbm>> -> memref<4x8x512xf32, #tpu.memory_space<hbm>>
    %dma_start3A_7 = arith.constant 0 : i32
    %dma_start3A_8 = arith.constant 0 : i32
    %dma_start3A_9 = tpu.memref_slice %arg2[%dma_start3A_7, %dma_start3A_8, %multiple_of3A] : memref<4x8x1000000xf32, #tpu.memory_space<hbm>> -> memref<4x8x512xf32, #tpu.memory_space<hbm>>
    tpu.enqueue_dma source(%dma_start3A_9 : memref<4x8x512xf32, #tpu.memory_space<hbm>>) target(%arg5 : memref<4x8x512xf32, #tpu.memory_space<vmem>>) target_semaphore(%arg9 : memref<!tpu.dma_semaphore, #tpu.memory_space<semaphore_mem>>)
    %add3A_10 = arith.constant 512 : i32
    %add3A_11 = arith.addi %mul3A_2, %add3A_10 : i32
    %multiple_of3A_12 = tpu.assume_multiple %add3A_11, 128 : i32
    %dma_start3A_13 = arith.constant 0 : i32
    %dma_start3A_14 = arith.constant 0 : i32
    %dma_start3A_15 = tpu.memref_slice %arg2[%dma_start3A_13, %dma_start3A_14, %multiple_of3A_12] : memref<4x8x1000000xf32, #tpu.memory_space<hbm>> -> memref<4x8x512xf32, #tpu.memory_space<hbm>>
    %dma_start3A_16 = arith.constant 0 : i32
    %dma_start3A_17 = arith.constant 0 : i32
    %dma_start3A_18 = tpu.memref_slice %arg2[%dma_start3A_16, %dma_start3A_17, %multiple_of3A_12] : memref<4x8x1000000xf32, #tpu.memory_space<hbm>> -> memref<4x8x512xf32, #tpu.memory_space<hbm>>
    tpu.enqueue_dma source(%dma_start3A_18 : memref<4x8x512xf32, #tpu.memory_space<hbm>>) target(%arg6 : memref<4x8x512xf32, #tpu.memory_space<vmem>>) target_semaphore(%arg10 : memref<!tpu.dma_semaphore, #tpu.memory_space<semaphore_mem>>)
    %scan3A = arith.constant 0 : i32
    %scan3A_19 = arith.constant 0 : i32
    %scan3A_20 = arith.constant 31 : i32
    %scan3A_21 = arith.addi %scan3A_19, %scan3A_20 : i32
    %scan3A_22 = arith.constant 1 : i32
    scf.for %scan3A_33 = %scan3A_19 to %scan3A_21 step %scan3A_22  : i32 {
      %mul3A_34 = arith.constant 2 : i32
      %mul3A_35 = arith.muli %mul3A_34, %scan3A_33 : i32
      %add3A_36 = arith.constant 0 : i32
      %add3A_37 = arith.addi %mul3A_35, %add3A_36 : i32
      %dma_wait3A_38 = arith.constant 0 : i32
      %dma_wait3A_39 = arith.constant 0 : i32
      %dma_wait3A_40 = arith.constant 0 : i32
      %dma_wait3A_41 = tpu.memref_slice %arg2[%dma_wait3A_38, %dma_wait3A_39, %dma_wait3A_40] : memref<4x8x1000000xf32, #tpu.memory_space<hbm>> -> memref<4x8x512xf32, #tpu.memory_space<hbm>>
      %dma_wait3A_42 = arith.constant 0 : i32
      %dma_wait3A_43 = arith.constant 0 : i32
      %dma_wait3A_44 = arith.constant 0 : i32
      %dma_wait3A_45 = tpu.memref_slice %arg2[%dma_wait3A_42, %dma_wait3A_43, %dma_wait3A_44] : memref<4x8x1000000xf32, #tpu.memory_space<hbm>> -> memref<4x8x512xf32, #tpu.memory_space<hbm>>
      tpu.wait_dma2 semaphore(%arg9 : memref<!tpu.dma_semaphore, #tpu.memory_space<semaphore_mem>>) src(%dma_wait3A_45 : memref<4x8x512xf32, #tpu.memory_space<hbm>>) dst(%arg5 : memref<4x8x512xf32, #tpu.memory_space<vmem>>)
      %ge3A = arith.constant 2 : i32
      %ge3A_46 = arith.cmpi sge, %add3A_37, %ge3A : i32
      %convert_element_type3A_47 = arith.extui %ge3A_46 : i1 to i32
      %cond3A_48 = arith.constant 0 : i32
      %cond3A_49 = arith.cmpi ne, %convert_element_type3A_47, %cond3A_48 : i32
      scf.if %cond3A_49 {
        %dma_wait3A_108 = arith.constant 0 : i32
        %dma_wait3A_109 = tpu.memref_slice %arg4[%dma_wait3A_108] : memref<32002048xf32, #tpu.memory_space<hbm>> -> memref<16384xf32, #tpu.memory_space<hbm>>
        %dma_wait3A_110 = arith.constant 0 : i32
        %dma_wait3A_111 = tpu.memref_slice %arg4[%dma_wait3A_110] : memref<32002048xf32, #tpu.memory_space<hbm>> -> memref<16384xf32, #tpu.memory_space<hbm>>
        tpu.wait_dma2 semaphore(%arg11 : memref<!tpu.dma_semaphore, #tpu.memory_space<semaphore_mem>>) src(%arg7 : memref<16384xf32, #tpu.memory_space<vmem>>) dst(%dma_wait3A_111 : memref<16384xf32, #tpu.memory_space<hbm>>)
      } else {
      }
      %scan3A_50 = arith.constant 0 : i32
      %scan3A_51 = arith.constant 0 : i32
      %scan3A_52 = arith.constant 32 : i32
      %scan3A_53 = arith.addi %scan3A_51, %scan3A_52 : i32
      %scan3A_54 = arith.constant 1 : i32
      scf.for %scan3A_108 = %scan3A_51 to %scan3A_53 step %scan3A_54  : i32 {
        %mul3A_109 = arith.constant 16 : i32
        %mul3A_110 = arith.muli %scan3A_108, %mul3A_109 : i32
        %add3A_111 = vector.broadcast %mul3A_110 : i32 to vector<16xi32>
        %add3A_112 = arith.addi %add3A_111, %iota3A : vector<16xi32>
        %mul3A_113 = arith.constant 32 : i32
        %mul3A_114 = vector.broadcast %mul3A_113 : i32 to vector<16xi32>
        %mul3A_115 = arith.muli %add3A_112, %mul3A_114 : vector<16xi32>
        %broadcast_in_dim3A = arith.constant 0 : i32
        %broadcast_in_dim3A_116 = vector.broadcast %broadcast_in_dim3A : i32 to vector<16xi32>
        %broadcast_in_dim3A_117 = arith.constant 0 : i32
        %broadcast_in_dim3A_118 = vector.broadcast %broadcast_in_dim3A_117 : i32 to vector<16xi32>
        %gather3A = tpu.vector_load_idx %arg5[%broadcast_in_dim3A_116, %broadcast_in_dim3A_118, %add3A_112] : memref<4x8x512xf32, #tpu.memory_space<vmem>>[vector<16xi32>, vector<16xi32>, vector<16xi32>], vector<16xf32>,
        %broadcast_in_dim3A_119 = arith.constant 0 : i32
        %broadcast_in_dim3A_120 = vector.broadcast %broadcast_in_dim3A_119 : i32 to vector<16xi32>
        %broadcast_in_dim3A_121 = arith.constant 1 : i32
        %broadcast_in_dim3A_122 = vector.broadcast %broadcast_in_dim3A_121 : i32 to vector<16xi32>
        %gather3A_123 = tpu.vector_load_idx %arg5[%broadcast_in_dim3A_120, %broadcast_in_dim3A_122, %add3A_112] : memref<4x8x512xf32, #tpu.memory_space<vmem>>[vector<16xi32>, vector<16xi32>, vector<16xi32>], vector<16xf32>,
        %broadcast_in_dim3A_124 = arith.constant 0 : i32
        %broadcast_in_dim3A_125 = vector.broadcast %broadcast_in_dim3A_124 : i32 to vector<16xi32>
        %broadcast_in_dim3A_126 = arith.constant 2 : i32
        %broadcast_in_dim3A_127 = vector.broadcast %broadcast_in_dim3A_126 : i32 to vector<16xi32>
        %gather3A_128 = tpu.vector_load_idx %arg5[%broadcast_in_dim3A_125, %broadcast_in_dim3A_127, %add3A_112] : memref<4x8x512xf32, #tpu.memory_space<vmem>>[vector<16xi32>, vector<16xi32>, vector<16xi32>], vector<16xf32>,
        %broadcast_in_dim3A_129 = arith.constant 0 : i32
        %broadcast_in_dim3A_130 = vector.broadcast %broadcast_in_dim3A_129 : i32 to vector<16xi32>
        %broadcast_in_dim3A_131 = arith.constant 3 : i32
        %broadcast_in_dim3A_132 = vector.broadcast %broadcast_in_dim3A_131 : i32 to vector<16xi32>
        %gather3A_133 = tpu.vector_load_idx %arg5[%broadcast_in_dim3A_130, %broadcast_in_dim3A_132, %add3A_112] : memref<4x8x512xf32, #tpu.memory_space<vmem>>[vector<16xi32>, vector<16xi32>, vector<16xi32>], vector<16xf32>,
        %broadcast_in_dim3A_134 = arith.constant 0 : i32
        %broadcast_in_dim3A_135 = vector.broadcast %broadcast_in_dim3A_134 : i32 to vector<16xi32>
        %broadcast_in_dim3A_136 = arith.constant 4 : i32
        %broadcast_in_dim3A_137 = vector.broadcast %broadcast_in_dim3A_136 : i32 to vector<16xi32>
        %gather3A_138 = tpu.vector_load_idx %arg5[%broadcast_in_dim3A_135, %broadcast_in_dim3A_137, %add3A_112] : memref<4x8x512xf32, #tpu.memory_space<vmem>>[vector<16xi32>, vector<16xi32>, vector<16xi32>], vector<16xf32>,
        %broadcast_in_dim3A_139 = arith.constant 0 : i32
        %broadcast_in_dim3A_140 = vector.broadcast %broadcast_in_dim3A_139 : i32 to vector<16xi32>
        %broadcast_in_dim3A_141 = arith.constant 5 : i32
        %broadcast_in_dim3A_142 = vector.broadcast %broadcast_in_dim3A_141 : i32 to vector<16xi32>
        %gather3A_143 = tpu.vector_load_idx %arg5[%broadcast_in_dim3A_140, %broadcast_in_dim3A_142, %add3A_112] : memref<4x8x512xf32, #tpu.memory_space<vmem>>[vector<16xi32>, vector<16xi32>, vector<16xi32>], vector<16xf32>,
        %broadcast_in_dim3A_144 = arith.constant 0 : i32
        %broadcast_in_dim3A_145 = vector.broadcast %broadcast_in_dim3A_144 : i32 to vector<16xi32>
        %broadcast_in_dim3A_146 = arith.constant 6 : i32
        %broadcast_in_dim3A_147 = vector.broadcast %broadcast_in_dim3A_146 : i32 to vector<16xi32>
        %gather3A_148 = tpu.vector_load_idx %arg5[%broadcast_in_dim3A_145, %broadcast_in_dim3A_147, %add3A_112] : memref<4x8x512xf32, #tpu.memory_space<vmem>>[vector<16xi32>, vector<16xi32>, vector<16xi32>], vector<16xf32>,
        %broadcast_in_dim3A_149 = arith.constant 0 : i32
        %broadcast_in_dim3A_150 = vector.broadcast %broadcast_in_dim3A_149 : i32 to vector<16xi32>
        %broadcast_in_dim3A_151 = arith.constant 7 : i32
        %broadcast_in_dim3A_152 = vector.broadcast %broadcast_in_dim3A_151 : i32 to vector<16xi32>
        %gather3A_153 = tpu.vector_load_idx %arg5[%broadcast_in_dim3A_150, %broadcast_in_dim3A_152, %add3A_112] : memref<4x8x512xf32, #tpu.memory_space<vmem>>[vector<16xi32>, vector<16xi32>, vector<16xi32>], vector<16xf32>,
        %broadcast_in_dim3A_154 = arith.constant 1 : i32
        %broadcast_in_dim3A_155 = vector.broadcast %broadcast_in_dim3A_154 : i32 to vector<16xi32>
        %broadcast_in_dim3A_156 = arith.constant 0 : i32
        %broadcast_in_dim3A_157 = vector.broadcast %broadcast_in_dim3A_156 : i32 to vector<16xi32>
        %gather3A_158 = tpu.vector_load_idx %arg5[%broadcast_in_dim3A_155, %broadcast_in_dim3A_157, %add3A_112] : memref<4x8x512xf32, #tpu.memory_space<vmem>>[vector<16xi32>, vector<16xi32>, vector<16xi32>], vector<16xf32>,
        %broadcast_in_dim3A_159 = arith.constant 1 : i32
        %broadcast_in_dim3A_160 = vector.broadcast %broadcast_in_dim3A_159 : i32 to vector<16xi32>
        %broadcast_in_dim3A_161 = arith.constant 1 : i32
        %broadcast_in_dim3A_162 = vector.broadcast %broadcast_in_dim3A_161 : i32 to vector<16xi32>
        %gather3A_163 = tpu.vector_load_idx %arg5[%broadcast_in_dim3A_160, %broadcast_in_dim3A_162, %add3A_112] : memref<4x8x512xf32, #tpu.memory_space<vmem>>[vector<16xi32>, vector<16xi32>, vector<16xi32>], vector<16xf32>,
        %broadcast_in_dim3A_164 = arith.constant 1 : i32
        %broadcast_in_dim3A_165 = vector.broadcast %broadcast_in_dim3A_164 : i32 to vector<16xi32>
        %broadcast_in_dim3A_166 = arith.constant 2 : i32
        %broadcast_in_dim3A_167 = vector.broadcast %broadcast_in_dim3A_166 : i32 to vector<16xi32>
        %gather3A_168 = tpu.vector_load_idx %arg5[%broadcast_in_dim3A_165, %broadcast_in_dim3A_167, %add3A_112] : memref<4x8x512xf32, #tpu.memory_space<vmem>>[vector<16xi32>, vector<16xi32>, vector<16xi32>], vector<16xf32>,
        %broadcast_in_dim3A_169 = arith.constant 1 : i32
        %broadcast_in_dim3A_170 = vector.broadcast %broadcast_in_dim3A_169 : i32 to vector<16xi32>
        %broadcast_in_dim3A_171 = arith.constant 3 : i32
        %broadcast_in_dim3A_172 = vector.broadcast %broadcast_in_dim3A_171 : i32 to vector<16xi32>
        %gather3A_173 = tpu.vector_load_idx %arg5[%broadcast_in_dim3A_170, %broadcast_in_dim3A_172, %add3A_112] : memref<4x8x512xf32, #tpu.memory_space<vmem>>[vector<16xi32>, vector<16xi32>, vector<16xi32>], vector<16xf32>,
        %broadcast_in_dim3A_174 = arith.constant 1 : i32
        %broadcast_in_dim3A_175 = vector.broadcast %broadcast_in_dim3A_174 : i32 to vector<16xi32>
        %broadcast_in_dim3A_176 = arith.constant 4 : i32
        %broadcast_in_dim3A_177 = vector.broadcast %broadcast_in_dim3A_176 : i32 to vector<16xi32>
        %gather3A_178 = tpu.vector_load_idx %arg5[%broadcast_in_dim3A_175, %broadcast_in_dim3A_177, %add3A_112] : memref<4x8x512xf32, #tpu.memory_space<vmem>>[vector<16xi32>, vector<16xi32>, vector<16xi32>], vector<16xf32>,
        %broadcast_in_dim3A_179 = arith.constant 1 : i32
        %broadcast_in_dim3A_180 = vector.broadcast %broadcast_in_dim3A_179 : i32 to vector<16xi32>
        %broadcast_in_dim3A_181 = arith.constant 5 : i32
        %broadcast_in_dim3A_182 = vector.broadcast %broadcast_in_dim3A_181 : i32 to vector<16xi32>
        %gather3A_183 = tpu.vector_load_idx %arg5[%broadcast_in_dim3A_180, %broadcast_in_dim3A_182, %add3A_112] : memref<4x8x512xf32, #tpu.memory_space<vmem>>[vector<16xi32>, vector<16xi32>, vector<16xi32>], vector<16xf32>,
        %broadcast_in_dim3A_184 = arith.constant 1 : i32
        %broadcast_in_dim3A_185 = vector.broadcast %broadcast_in_dim3A_184 : i32 to vector<16xi32>
        %broadcast_in_dim3A_186 = arith.constant 6 : i32
        %broadcast_in_dim3A_187 = vector.broadcast %broadcast_in_dim3A_186 : i32 to vector<16xi32>
        %gather3A_188 = tpu.vector_load_idx %arg5[%broadcast_in_dim3A_185, %broadcast_in_dim3A_187, %add3A_112] : memref<4x8x512xf32, #tpu.memory_space<vmem>>[vector<16xi32>, vector<16xi32>, vector<16xi32>], vector<16xf32>,
        %broadcast_in_dim3A_189 = arith.constant 1 : i32
        %broadcast_in_dim3A_190 = vector.broadcast %broadcast_in_dim3A_189 : i32 to vector<16xi32>
        %broadcast_in_dim3A_191 = arith.constant 7 : i32
        %broadcast_in_dim3A_192 = vector.broadcast %broadcast_in_dim3A_191 : i32 to vector<16xi32>
        %gather3A_193 = tpu.vector_load_idx %arg5[%broadcast_in_dim3A_190, %broadcast_in_dim3A_192, %add3A_112] : memref<4x8x512xf32, #tpu.memory_space<vmem>>[vector<16xi32>, vector<16xi32>, vector<16xi32>], vector<16xf32>,
        %broadcast_in_dim3A_194 = arith.constant 2 : i32
        %broadcast_in_dim3A_195 = vector.broadcast %broadcast_in_dim3A_194 : i32 to vector<16xi32>
        %broadcast_in_dim3A_196 = arith.constant 0 : i32
        %broadcast_in_dim3A_197 = vector.broadcast %broadcast_in_dim3A_196 : i32 to vector<16xi32>
        %gather3A_198 = tpu.vector_load_idx %arg5[%broadcast_in_dim3A_195, %broadcast_in_dim3A_197, %add3A_112] : memref<4x8x512xf32, #tpu.memory_space<vmem>>[vector<16xi32>, vector<16xi32>, vector<16xi32>], vector<16xf32>,
        %broadcast_in_dim3A_199 = arith.constant 2 : i32
        %broadcast_in_dim3A_200 = vector.broadcast %broadcast_in_dim3A_199 : i32 to vector<16xi32>
        %broadcast_in_dim3A_201 = arith.constant 1 : i32
        %broadcast_in_dim3A_202 = vector.broadcast %broadcast_in_dim3A_201 : i32 to vector<16xi32>
        %gather3A_203 = tpu.vector_load_idx %arg5[%broadcast_in_dim3A_200, %broadcast_in_dim3A_202, %add3A_112] : memref<4x8x512xf32, #tpu.memory_space<vmem>>[vector<16xi32>, vector<16xi32>, vector<16xi32>], vector<16xf32>,
        %broadcast_in_dim3A_204 = arith.constant 2 : i32
        %broadcast_in_dim3A_205 = vector.broadcast %broadcast_in_dim3A_204 : i32 to vector<16xi32>
        %broadcast_in_dim3A_206 = arith.constant 2 : i32
        %broadcast_in_dim3A_207 = vector.broadcast %broadcast_in_dim3A_206 : i32 to vector<16xi32>
        %gather3A_208 = tpu.vector_load_idx %arg5[%broadcast_in_dim3A_205, %broadcast_in_dim3A_207, %add3A_112] : memref<4x8x512xf32, #tpu.memory_space<vmem>>[vector<16xi32>, vector<16xi32>, vector<16xi32>], vector<16xf32>,
        %broadcast_in_dim3A_209 = arith.constant 2 : i32
        %broadcast_in_dim3A_210 = vector.broadcast %broadcast_in_dim3A_209 : i32 to vector<16xi32>
        %broadcast_in_dim3A_211 = arith.constant 3 : i32
        %broadcast_in_dim3A_212 = vector.broadcast %broadcast_in_dim3A_211 : i32 to vector<16xi32>
        %gather3A_213 = tpu.vector_load_idx %arg5[%broadcast_in_dim3A_210, %broadcast_in_dim3A_212, %add3A_112] : memref<4x8x512xf32, #tpu.memory_space<vmem>>[vector<16xi32>, vector<16xi32>, vector<16xi32>], vector<16xf32>,
        %broadcast_in_dim3A_214 = arith.constant 2 : i32
        %broadcast_in_dim3A_215 = vector.broadcast %broadcast_in_dim3A_214 : i32 to vector<16xi32>
        %broadcast_in_dim3A_216 = arith.constant 4 : i32
        %broadcast_in_dim3A_217 = vector.broadcast %broadcast_in_dim3A_216 : i32 to vector<16xi32>
        %gather3A_218 = tpu.vector_load_idx %arg5[%broadcast_in_dim3A_215, %broadcast_in_dim3A_217, %add3A_112] : memref<4x8x512xf32, #tpu.memory_space<vmem>>[vector<16xi32>, vector<16xi32>, vector<16xi32>], vector<16xf32>,
        %broadcast_in_dim3A_219 = arith.constant 2 : i32
        %broadcast_in_dim3A_220 = vector.broadcast %broadcast_in_dim3A_219 : i32 to vector<16xi32>
        %broadcast_in_dim3A_221 = arith.constant 5 : i32
        %broadcast_in_dim3A_222 = vector.broadcast %broadcast_in_dim3A_221 : i32 to vector<16xi32>
        %gather3A_223 = tpu.vector_load_idx %arg5[%broadcast_in_dim3A_220, %broadcast_in_dim3A_222, %add3A_112] : memref<4x8x512xf32, #tpu.memory_space<vmem>>[vector<16xi32>, vector<16xi32>, vector<16xi32>], vector<16xf32>,
        %broadcast_in_dim3A_224 = arith.constant 2 : i32
        %broadcast_in_dim3A_225 = vector.broadcast %broadcast_in_dim3A_224 : i32 to vector<16xi32>
        %broadcast_in_dim3A_226 = arith.constant 6 : i32
        %broadcast_in_dim3A_227 = vector.broadcast %broadcast_in_dim3A_226 : i32 to vector<16xi32>
        %gather3A_228 = tpu.vector_load_idx %arg5[%broadcast_in_dim3A_225, %broadcast_in_dim3A_227, %add3A_112] : memref<4x8x512xf32, #tpu.memory_space<vmem>>[vector<16xi32>, vector<16xi32>, vector<16xi32>], vector<16xf32>,
        %broadcast_in_dim3A_229 = arith.constant 2 : i32
        %broadcast_in_dim3A_230 = vector.broadcast %broadcast_in_dim3A_229 : i32 to vector<16xi32>
        %broadcast_in_dim3A_231 = arith.constant 7 : i32
        %broadcast_in_dim3A_232 = vector.broadcast %broadcast_in_dim3A_231 : i32 to vector<16xi32>
        %gather3A_233 = tpu.vector_load_idx %arg5[%broadcast_in_dim3A_230, %broadcast_in_dim3A_232, %add3A_112] : memref<4x8x512xf32, #tpu.memory_space<vmem>>[vector<16xi32>, vector<16xi32>, vector<16xi32>], vector<16xf32>,
        %broadcast_in_dim3A_234 = arith.constant 3 : i32
        %broadcast_in_dim3A_235 = vector.broadcast %broadcast_in_dim3A_234 : i32 to vector<16xi32>
        %broadcast_in_dim3A_236 = arith.constant 0 : i32
        %broadcast_in_dim3A_237 = vector.broadcast %broadcast_in_dim3A_236 : i32 to vector<16xi32>
        %gather3A_238 = tpu.vector_load_idx %arg5[%broadcast_in_dim3A_235, %broadcast_in_dim3A_237, %add3A_112] : memref<4x8x512xf32, #tpu.memory_space<vmem>>[vector<16xi32>, vector<16xi32>, vector<16xi32>], vector<16xf32>,
        %broadcast_in_dim3A_239 = arith.constant 3 : i32
        %broadcast_in_dim3A_240 = vector.broadcast %broadcast_in_dim3A_239 : i32 to vector<16xi32>
        %broadcast_in_dim3A_241 = arith.constant 1 : i32
        %broadcast_in_dim3A_242 = vector.broadcast %broadcast_in_dim3A_241 : i32 to vector<16xi32>
        %gather3A_243 = tpu.vector_load_idx %arg5[%broadcast_in_dim3A_240, %broadcast_in_dim3A_242, %add3A_112] : memref<4x8x512xf32, #tpu.memory_space<vmem>>[vector<16xi32>, vector<16xi32>, vector<16xi32>], vector<16xf32>,
        %broadcast_in_dim3A_244 = arith.constant 3 : i32
        %broadcast_in_dim3A_245 = vector.broadcast %broadcast_in_dim3A_244 : i32 to vector<16xi32>
        %broadcast_in_dim3A_246 = arith.constant 2 : i32
        %broadcast_in_dim3A_247 = vector.broadcast %broadcast_in_dim3A_246 : i32 to vector<16xi32>
        %gather3A_248 = tpu.vector_load_idx %arg5[%broadcast_in_dim3A_245, %broadcast_in_dim3A_247, %add3A_112] : memref<4x8x512xf32, #tpu.memory_space<vmem>>[vector<16xi32>, vector<16xi32>, vector<16xi32>], vector<16xf32>,
        %broadcast_in_dim3A_249 = arith.constant 3 : i32
        %broadcast_in_dim3A_250 = vector.broadcast %broadcast_in_dim3A_249 : i32 to vector<16xi32>
        %broadcast_in_dim3A_251 = arith.constant 3 : i32
        %broadcast_in_dim3A_252 = vector.broadcast %broadcast_in_dim3A_251 : i32 to vector<16xi32>
        %gather3A_253 = tpu.vector_load_idx %arg5[%broadcast_in_dim3A_250, %broadcast_in_dim3A_252, %add3A_112] : memref<4x8x512xf32, #tpu.memory_space<vmem>>[vector<16xi32>, vector<16xi32>, vector<16xi32>], vector<16xf32>,
        %broadcast_in_dim3A_254 = arith.constant 3 : i32
        %broadcast_in_dim3A_255 = vector.broadcast %broadcast_in_dim3A_254 : i32 to vector<16xi32>
        %broadcast_in_dim3A_256 = arith.constant 4 : i32
        %broadcast_in_dim3A_257 = vector.broadcast %broadcast_in_dim3A_256 : i32 to vector<16xi32>
        %gather3A_258 = tpu.vector_load_idx %arg5[%broadcast_in_dim3A_255, %broadcast_in_dim3A_257, %add3A_112] : memref<4x8x512xf32, #tpu.memory_space<vmem>>[vector<16xi32>, vector<16xi32>, vector<16xi32>], vector<16xf32>,
        %broadcast_in_dim3A_259 = arith.constant 3 : i32
        %broadcast_in_dim3A_260 = vector.broadcast %broadcast_in_dim3A_259 : i32 to vector<16xi32>
        %broadcast_in_dim3A_261 = arith.constant 5 : i32
        %broadcast_in_dim3A_262 = vector.broadcast %broadcast_in_dim3A_261 : i32 to vector<16xi32>
        %gather3A_263 = tpu.vector_load_idx %arg5[%broadcast_in_dim3A_260, %broadcast_in_dim3A_262, %add3A_112] : memref<4x8x512xf32, #tpu.memory_space<vmem>>[vector<16xi32>, vector<16xi32>, vector<16xi32>], vector<16xf32>,
        %broadcast_in_dim3A_264 = arith.constant 3 : i32
        %broadcast_in_dim3A_265 = vector.broadcast %broadcast_in_dim3A_264 : i32 to vector<16xi32>
        %broadcast_in_dim3A_266 = arith.constant 6 : i32
        %broadcast_in_dim3A_267 = vector.broadcast %broadcast_in_dim3A_266 : i32 to vector<16xi32>
        %gather3A_268 = tpu.vector_load_idx %arg5[%broadcast_in_dim3A_265, %broadcast_in_dim3A_267, %add3A_112] : memref<4x8x512xf32, #tpu.memory_space<vmem>>[vector<16xi32>, vector<16xi32>, vector<16xi32>], vector<16xf32>,
        %broadcast_in_dim3A_269 = arith.constant 3 : i32
        %broadcast_in_dim3A_270 = vector.broadcast %broadcast_in_dim3A_269 : i32 to vector<16xi32>
        %broadcast_in_dim3A_271 = arith.constant 7 : i32
        %broadcast_in_dim3A_272 = vector.broadcast %broadcast_in_dim3A_271 : i32 to vector<16xi32>
        %gather3A_273 = tpu.vector_load_idx %arg5[%broadcast_in_dim3A_270, %broadcast_in_dim3A_272, %add3A_112] : memref<4x8x512xf32, #tpu.memory_space<vmem>>[vector<16xi32>, vector<16xi32>, vector<16xi32>], vector<16xf32>,
        %add3A_274 = arith.constant 0 : i32
        %add3A_275 = vector.broadcast %add3A_274 : i32 to vector<16xi32>
        %add3A_276 = arith.addi %mul3A_115, %add3A_275 : vector<16xi32>
        tpu.vector_store_idx %arg7[%add3A_276], %gather3A : memref<16384xf32, #tpu.memory_space<vmem>>[vector<16xi32>], vector<16xf32>,
        %add3A_277 = arith.constant 1 : i32
        %add3A_278 = vector.broadcast %add3A_277 : i32 to vector<16xi32>
        %add3A_279 = arith.addi %mul3A_115, %add3A_278 : vector<16xi32>
        tpu.vector_store_idx %arg7[%add3A_279], %gather3A_123 : memref<16384xf32, #tpu.memory_space<vmem>>[vector<16xi32>], vector<16xf32>,
        %add3A_280 = arith.constant 2 : i32
        %add3A_281 = vector.broadcast %add3A_280 : i32 to vector<16xi32>
        %add3A_282 = arith.addi %mul3A_115, %add3A_281 : vector<16xi32>
        tpu.vector_store_idx %arg7[%add3A_282], %gather3A_128 : memref<16384xf32, #tpu.memory_space<vmem>>[vector<16xi32>], vector<16xf32>,
        %add3A_283 = arith.constant 3 : i32
        %add3A_284 = vector.broadcast %add3A_283 : i32 to vector<16xi32>
        %add3A_285 = arith.addi %mul3A_115, %add3A_284 : vector<16xi32>
        tpu.vector_store_idx %arg7[%add3A_285], %gather3A_133 : memref<16384xf32, #tpu.memory_space<vmem>>[vector<16xi32>], vector<16xf32>,
        %add3A_286 = arith.constant 4 : i32
        %add3A_287 = vector.broadcast %add3A_286 : i32 to vector<16xi32>
        %add3A_288 = arith.addi %mul3A_115, %add3A_287 : vector<16xi32>
        tpu.vector_store_idx %arg7[%add3A_288], %gather3A_138 : memref<16384xf32, #tpu.memory_space<vmem>>[vector<16xi32>], vector<16xf32>,
        %add3A_289 = arith.constant 5 : i32
        %add3A_290 = vector.broadcast %add3A_289 : i32 to vector<16xi32>
        %add3A_291 = arith.addi %mul3A_115, %add3A_290 : vector<16xi32>
        tpu.vector_store_idx %arg7[%add3A_291], %gather3A_143 : memref<16384xf32, #tpu.memory_space<vmem>>[vector<16xi32>], vector<16xf32>,
        %add3A_292 = arith.constant 6 : i32
        %add3A_293 = vector.broadcast %add3A_292 : i32 to vector<16xi32>
        %add3A_294 = arith.addi %mul3A_115, %add3A_293 : vector<16xi32>
        tpu.vector_store_idx %arg7[%add3A_294], %gather3A_148 : memref<16384xf32, #tpu.memory_space<vmem>>[vector<16xi32>], vector<16xf32>,
        %add3A_295 = arith.constant 7 : i32
        %add3A_296 = vector.broadcast %add3A_295 : i32 to vector<16xi32>
        %add3A_297 = arith.addi %mul3A_115, %add3A_296 : vector<16xi32>
        tpu.vector_store_idx %arg7[%add3A_297], %gather3A_153 : memref<16384xf32, #tpu.memory_space<vmem>>[vector<16xi32>], vector<16xf32>,
        %add3A_298 = arith.constant 8 : i32
        %add3A_299 = vector.broadcast %add3A_298 : i32 to vector<16xi32>
        %add3A_300 = arith.addi %mul3A_115, %add3A_299 : vector<16xi32>
        tpu.vector_store_idx %arg7[%add3A_300], %gather3A_158 : memref<16384xf32, #tpu.memory_space<vmem>>[vector<16xi32>], vector<16xf32>,
        %add3A_301 = arith.constant 9 : i32
        %add3A_302 = vector.broadcast %add3A_301 : i32 to vector<16xi32>
        %add3A_303 = arith.addi %mul3A_115, %add3A_302 : vector<16xi32>
        tpu.vector_store_idx %arg7[%add3A_303], %gather3A_163 : memref<16384xf32, #tpu.memory_space<vmem>>[vector<16xi32>], vector<16xf32>,
        %add3A_304 = arith.constant 10 : i32
        %add3A_305 = vector.broadcast %add3A_304 : i32 to vector<16xi32>
        %add3A_306 = arith.addi %mul3A_115, %add3A_305 : vector<16xi32>
        tpu.vector_store_idx %arg7[%add3A_306], %gather3A_168 : memref<16384xf32, #tpu.memory_space<vmem>>[vector<16xi32>], vector<16xf32>,
        %add3A_307 = arith.constant 11 : i32
        %add3A_308 = vector.broadcast %add3A_307 : i32 to vector<16xi32>
        %add3A_309 = arith.addi %mul3A_115, %add3A_308 : vector<16xi32>
        tpu.vector_store_idx %arg7[%add3A_309], %gather3A_173 : memref<16384xf32, #tpu.memory_space<vmem>>[vector<16xi32>], vector<16xf32>,
        %add3A_310 = arith.constant 12 : i32
        %add3A_311 = vector.broadcast %add3A_310 : i32 to vector<16xi32>
        %add3A_312 = arith.addi %mul3A_115, %add3A_311 : vector<16xi32>
        tpu.vector_store_idx %arg7[%add3A_312], %gather3A_178 : memref<16384xf32, #tpu.memory_space<vmem>>[vector<16xi32>], vector<16xf32>,
        %add3A_313 = arith.constant 13 : i32
        %add3A_314 = vector.broadcast %add3A_313 : i32 to vector<16xi32>
        %add3A_315 = arith.addi %mul3A_115, %add3A_314 : vector<16xi32>
        tpu.vector_store_idx %arg7[%add3A_315], %gather3A_183 : memref<16384xf32, #tpu.memory_space<vmem>>[vector<16xi32>], vector<16xf32>,
        %add3A_316 = arith.constant 14 : i32
        %add3A_317 = vector.broadcast %add3A_316 : i32 to vector<16xi32>
        %add3A_318 = arith.addi %mul3A_115, %add3A_317 : vector<16xi32>
        tpu.vector_store_idx %arg7[%add3A_318], %gather3A_188 : memref<16384xf32, #tpu.memory_space<vmem>>[vector<16xi32>], vector<16xf32>,
        %add3A_319 = arith.constant 15 : i32
        %add3A_320 = vector.broadcast %add3A_319 : i32 to vector<16xi32>
        %add3A_321 = arith.addi %mul3A_115, %add3A_320 : vector<16xi32>
        tpu.vector_store_idx %arg7[%add3A_321], %gather3A_193 : memref<16384xf32, #tpu.memory_space<vmem>>[vector<16xi32>], vector<16xf32>,
        %add3A_322 = arith.constant 16 : i32
        %add3A_323 = vector.broadcast %add3A_322 : i32 to vector<16xi32>
        %add3A_324 = arith.addi %mul3A_115, %add3A_323 : vector<16xi32>
        tpu.vector_store_idx %arg7[%add3A_324], %gather3A_198 : memref<16384xf32, #tpu.memory_space<vmem>>[vector<16xi32>], vector<16xf32>,
        %add3A_325 = arith.constant 17 : i32
        %add3A_326 = vector.broadcast %add3A_325 : i32 to vector<16xi32>
        %add3A_327 = arith.addi %mul3A_115, %add3A_326 : vector<16xi32>
        tpu.vector_store_idx %arg7[%add3A_327], %gather3A_203 : memref<16384xf32, #tpu.memory_space<vmem>>[vector<16xi32>], vector<16xf32>,
        %add3A_328 = arith.constant 18 : i32
        %add3A_329 = vector.broadcast %add3A_328 : i32 to vector<16xi32>
        %add3A_330 = arith.addi %mul3A_115, %add3A_329 : vector<16xi32>
        tpu.vector_store_idx %arg7[%add3A_330], %gather3A_208 : memref<16384xf32, #tpu.memory_space<vmem>>[vector<16xi32>], vector<16xf32>,
        %add3A_331 = arith.constant 19 : i32
        %add3A_332 = vector.broadcast %add3A_331 : i32 to vector<16xi32>
        %add3A_333 = arith.addi %mul3A_115, %add3A_332 : vector<16xi32>
        tpu.vector_store_idx %arg7[%add3A_333], %gather3A_213 : memref<16384xf32, #tpu.memory_space<vmem>>[vector<16xi32>], vector<16xf32>,
        %add3A_334 = arith.constant 20 : i32
        %add3A_335 = vector.broadcast %add3A_334 : i32 to vector<16xi32>
        %add3A_336 = arith.addi %mul3A_115, %add3A_335 : vector<16xi32>
        tpu.vector_store_idx %arg7[%add3A_336], %gather3A_218 : memref<16384xf32, #tpu.memory_space<vmem>>[vector<16xi32>], vector<16xf32>,
        %add3A_337 = arith.constant 21 : i32
        %add3A_338 = vector.broadcast %add3A_337 : i32 to vector<16xi32>
        %add3A_339 = arith.addi %mul3A_115, %add3A_338 : vector<16xi32>
        tpu.vector_store_idx %arg7[%add3A_339], %gather3A_223 : memref<16384xf32, #tpu.memory_space<vmem>>[vector<16xi32>], vector<16xf32>,
        %add3A_340 = arith.constant 22 : i32
        %add3A_341 = vector.broadcast %add3A_340 : i32 to vector<16xi32>
        %add3A_342 = arith.addi %mul3A_115, %add3A_341 : vector<16xi32>
        tpu.vector_store_idx %arg7[%add3A_342], %gather3A_228 : memref<16384xf32, #tpu.memory_space<vmem>>[vector<16xi32>], vector<16xf32>,
        %add3A_343 = arith.constant 23 : i32
        %add3A_344 = vector.broadcast %add3A_343 : i32 to vector<16xi32>
        %add3A_345 = arith.addi %mul3A_115, %add3A_344 : vector<16xi32>
        tpu.vector_store_idx %arg7[%add3A_345], %gather3A_233 : memref<16384xf32, #tpu.memory_space<vmem>>[vector<16xi32>], vector<16xf32>,
        %add3A_346 = arith.constant 24 : i32
        %add3A_347 = vector.broadcast %add3A_346 : i32 to vector<16xi32>
        %add3A_348 = arith.addi %mul3A_115, %add3A_347 : vector<16xi32>
        tpu.vector_store_idx %arg7[%add3A_348], %gather3A_238 : memref<16384xf32, #tpu.memory_space<vmem>>[vector<16xi32>], vector<16xf32>,
        %add3A_349 = arith.constant 25 : i32
        %add3A_350 = vector.broadcast %add3A_349 : i32 to vector<16xi32>
        %add3A_351 = arith.addi %mul3A_115, %add3A_350 : vector<16xi32>
        tpu.vector_store_idx %arg7[%add3A_351], %gather3A_243 : memref<16384xf32, #tpu.memory_space<vmem>>[vector<16xi32>], vector<16xf32>,
        %add3A_352 = arith.constant 26 : i32
        %add3A_353 = vector.broadcast %add3A_352 : i32 to vector<16xi32>
        %add3A_354 = arith.addi %mul3A_115, %add3A_353 : vector<16xi32>
        tpu.vector_store_idx %arg7[%add3A_354], %gather3A_248 : memref<16384xf32, #tpu.memory_space<vmem>>[vector<16xi32>], vector<16xf32>,
        %add3A_355 = arith.constant 27 : i32
        %add3A_356 = vector.broadcast %add3A_355 : i32 to vector<16xi32>
        %add3A_357 = arith.addi %mul3A_115, %add3A_356 : vector<16xi32>
        tpu.vector_store_idx %arg7[%add3A_357], %gather3A_253 : memref<16384xf32, #tpu.memory_space<vmem>>[vector<16xi32>], vector<16xf32>,
        %add3A_358 = arith.constant 28 : i32
        %add3A_359 = vector.broadcast %add3A_358 : i32 to vector<16xi32>
        %add3A_360 = arith.addi %mul3A_115, %add3A_359 : vector<16xi32>
        tpu.vector_store_idx %arg7[%add3A_360], %gather3A_258 : memref<16384xf32, #tpu.memory_space<vmem>>[vector<16xi32>], vector<16xf32>,
        %add3A_361 = arith.constant 29 : i32
        %add3A_362 = vector.broadcast %add3A_361 : i32 to vector<16xi32>
        %add3A_363 = arith.addi %mul3A_115, %add3A_362 : vector<16xi32>
        tpu.vector_store_idx %arg7[%add3A_363], %gather3A_263 : memref<16384xf32, #tpu.memory_space<vmem>>[vector<16xi32>], vector<16xf32>,
        %add3A_364 = arith.constant 30 : i32
        %add3A_365 = vector.broadcast %add3A_364 : i32 to vector<16xi32>
        %add3A_366 = arith.addi %mul3A_115, %add3A_365 : vector<16xi32>
        tpu.vector_store_idx %arg7[%add3A_366], %gather3A_268 : memref<16384xf32, #tpu.memory_space<vmem>>[vector<16xi32>], vector<16xf32>,
        %add3A_367 = arith.constant 31 : i32
        %add3A_368 = vector.broadcast %add3A_367 : i32 to vector<16xi32>
        %add3A_369 = arith.addi %mul3A_115, %add3A_368 : vector<16xi32>
        tpu.vector_store_idx %arg7[%add3A_369], %gather3A_273 : memref<16384xf32, #tpu.memory_space<vmem>>[vector<16xi32>], vector<16xf32>,
      }
      %scan3A_55 = arith.constant 32 : i32
      %mul3A_56 = arith.constant 512 : i32
      %mul3A_57 = arith.muli %add3A_37, %mul3A_56 : i32
      %add3A_58 = arith.addi %mul3A_2, %mul3A_57 : i32
      %multiple_of3A_59 = tpu.assume_multiple %add3A_58, 128 : i32
      %mul3A_60 = arith.constant 32 : i32
      %mul3A_61 = arith.muli %multiple_of3A_59, %mul3A_60 : i32
      %dma_start3A_62 = tpu.memref_slice %arg4[%mul3A_61] : memref<32002048xf32, #tpu.memory_space<hbm>> -> memref<16384xf32, #tpu.memory_space<hbm>>
      %dma_start3A_63 = tpu.memref_slice %arg4[%mul3A_61] : memref<32002048xf32, #tpu.memory_space<hbm>> -> memref<16384xf32, #tpu.memory_space<hbm>>
      tpu.enqueue_dma source(%arg7 : memref<16384xf32, #tpu.memory_space<vmem>>) target(%dma_start3A_63 : memref<16384xf32, #tpu.memory_space<hbm>>) target_semaphore(%arg11 : memref<!tpu.dma_semaphore, #tpu.memory_space<semaphore_mem>>)
      %add3A_64 = arith.constant 2 : i32
      %add3A_65 = arith.addi %add3A_37, %add3A_64 : i32
      %lt3A = arith.constant 62 : i32
      %lt3A_66 = arith.cmpi slt, %add3A_65, %lt3A : i32
      %convert_element_type3A_67 = arith.extui %lt3A_66 : i1 to i32
      %cond3A_68 = arith.constant 0 : i32
      %cond3A_69 = arith.cmpi ne, %convert_element_type3A_67, %cond3A_68 : i32
      scf.if %cond3A_69 {
        %add3A_108 = arith.constant 2 : i32
        %add3A_109 = arith.addi %add3A_37, %add3A_108 : i32
        %mul3A_110 = arith.constant 512 : i32
        %mul3A_111 = arith.muli %add3A_109, %mul3A_110 : i32
        %add3A_112 = arith.addi %mul3A_2, %mul3A_111 : i32
        %multiple_of3A_113 = tpu.assume_multiple %add3A_112, 128 : i32
        %dma_start3A_114 = arith.constant 0 : i32
        %dma_start3A_115 = arith.constant 0 : i32
        %dma_start3A_116 = tpu.memref_slice %arg2[%dma_start3A_114, %dma_start3A_115, %multiple_of3A_113] : memref<4x8x1000000xf32, #tpu.memory_space<hbm>> -> memref<4x8x512xf32, #tpu.memory_space<hbm>>
        %dma_start3A_117 = arith.constant 0 : i32
        %dma_start3A_118 = arith.constant 0 : i32
        %dma_start3A_119 = tpu.memref_slice %arg2[%dma_start3A_117, %dma_start3A_118, %multiple_of3A_113] : memref<4x8x1000000xf32, #tpu.memory_space<hbm>> -> memref<4x8x512xf32, #tpu.memory_space<hbm>>
        tpu.enqueue_dma source(%dma_start3A_119 : memref<4x8x512xf32, #tpu.memory_space<hbm>>) target(%arg5 : memref<4x8x512xf32, #tpu.memory_space<vmem>>) target_semaphore(%arg9 : memref<!tpu.dma_semaphore, #tpu.memory_space<semaphore_mem>>)
      } else {
      }
      %mul3A_70 = arith.constant 2 : i32
      %mul3A_71 = arith.muli %mul3A_70, %scan3A_33 : i32
      %add3A_72 = arith.constant 1 : i32
      %add3A_73 = arith.addi %mul3A_71, %add3A_72 : i32
      %dma_wait3A_74 = arith.constant 0 : i32
      %dma_wait3A_75 = arith.constant 0 : i32
      %dma_wait3A_76 = arith.constant 0 : i32
      %dma_wait3A_77 = tpu.memref_slice %arg2[%dma_wait3A_74, %dma_wait3A_75, %dma_wait3A_76] : memref<4x8x1000000xf32, #tpu.memory_space<hbm>> -> memref<4x8x512xf32, #tpu.memory_space<hbm>>
      %dma_wait3A_78 = arith.constant 0 : i32
      %dma_wait3A_79 = arith.constant 0 : i32
      %dma_wait3A_80 = arith.constant 0 : i32
      %dma_wait3A_81 = tpu.memref_slice %arg2[%dma_wait3A_78, %dma_wait3A_79, %dma_wait3A_80] : memref<4x8x1000000xf32, #tpu.memory_space<hbm>> -> memref<4x8x512xf32, #tpu.memory_space<hbm>>
      tpu.wait_dma2 semaphore(%arg10 : memref<!tpu.dma_semaphore, #tpu.memory_space<semaphore_mem>>) src(%dma_wait3A_81 : memref<4x8x512xf32, #tpu.memory_space<hbm>>) dst(%arg6 : memref<4x8x512xf32, #tpu.memory_space<vmem>>)
      %ge3A_82 = arith.constant 2 : i32
      %ge3A_83 = arith.cmpi sge, %add3A_73, %ge3A_82 : i32
      %convert_element_type3A_84 = arith.extui %ge3A_83 : i1 to i32
      %cond3A_85 = arith.constant 0 : i32
      %cond3A_86 = arith.cmpi ne, %convert_element_type3A_84, %cond3A_85 : i32
      scf.if %cond3A_86 {
        %dma_wait3A_108 = arith.constant 0 : i32
        %dma_wait3A_109 = tpu.memref_slice %arg4[%dma_wait3A_108] : memref<32002048xf32, #tpu.memory_space<hbm>> -> memref<16384xf32, #tpu.memory_space<hbm>>
        %dma_wait3A_110 = arith.constant 0 : i32
        %dma_wait3A_111 = tpu.memref_slice %arg4[%dma_wait3A_110] : memref<32002048xf32, #tpu.memory_space<hbm>> -> memref<16384xf32, #tpu.memory_space<hbm>>
        tpu.wait_dma2 semaphore(%arg12 : memref<!tpu.dma_semaphore, #tpu.memory_space<semaphore_mem>>) src(%arg8 : memref<16384xf32, #tpu.memory_space<vmem>>) dst(%dma_wait3A_111 : memref<16384xf32, #tpu.memory_space<hbm>>)
      } else {
      }
      %scan3A_87 = arith.constant 0 : i32
      %scan3A_88 = arith.constant 0 : i32
      %scan3A_89 = arith.constant 32 : i32
      %scan3A_90 = arith.addi %scan3A_88, %scan3A_89 : i32
      %scan3A_91 = arith.constant 1 : i32
      scf.for %scan3A_108 = %scan3A_88 to %scan3A_90 step %scan3A_91  : i32 {
        %mul3A_109 = arith.constant 16 : i32
        %mul3A_110 = arith.muli %scan3A_108, %mul3A_109 : i32
        %add3A_111 = vector.broadcast %mul3A_110 : i32 to vector<16xi32>
        %add3A_112 = arith.addi %add3A_111, %iota3A : vector<16xi32>
        %mul3A_113 = arith.constant 32 : i32
        %mul3A_114 = vector.broadcast %mul3A_113 : i32 to vector<16xi32>
        %mul3A_115 = arith.muli %add3A_112, %mul3A_114 : vector<16xi32>
        %broadcast_in_dim3A = arith.constant 0 : i32
        %broadcast_in_dim3A_116 = vector.broadcast %broadcast_in_dim3A : i32 to vector<16xi32>
        %broadcast_in_dim3A_117 = arith.constant 0 : i32
        %broadcast_in_dim3A_118 = vector.broadcast %broadcast_in_dim3A_117 : i32 to vector<16xi32>
        %gather3A = tpu.vector_load_idx %arg6[%broadcast_in_dim3A_116, %broadcast_in_dim3A_118, %add3A_112] : memref<4x8x512xf32, #tpu.memory_space<vmem>>[vector<16xi32>, vector<16xi32>, vector<16xi32>], vector<16xf32>,
        %broadcast_in_dim3A_119 = arith.constant 0 : i32
        %broadcast_in_dim3A_120 = vector.broadcast %broadcast_in_dim3A_119 : i32 to vector<16xi32>
        %broadcast_in_dim3A_121 = arith.constant 1 : i32
        %broadcast_in_dim3A_122 = vector.broadcast %broadcast_in_dim3A_121 : i32 to vector<16xi32>
        %gather3A_123 = tpu.vector_load_idx %arg6[%broadcast_in_dim3A_120, %broadcast_in_dim3A_122, %add3A_112] : memref<4x8x512xf32, #tpu.memory_space<vmem>>[vector<16xi32>, vector<16xi32>, vector<16xi32>], vector<16xf32>,
        %broadcast_in_dim3A_124 = arith.constant 0 : i32
        %broadcast_in_dim3A_125 = vector.broadcast %broadcast_in_dim3A_124 : i32 to vector<16xi32>
        %broadcast_in_dim3A_126 = arith.constant 2 : i32
        %broadcast_in_dim3A_127 = vector.broadcast %broadcast_in_dim3A_126 : i32 to vector<16xi32>
        %gather3A_128 = tpu.vector_load_idx %arg6[%broadcast_in_dim3A_125, %broadcast_in_dim3A_127, %add3A_112] : memref<4x8x512xf32, #tpu.memory_space<vmem>>[vector<16xi32>, vector<16xi32>, vector<16xi32>], vector<16xf32>,
        %broadcast_in_dim3A_129 = arith.constant 0 : i32
        %broadcast_in_dim3A_130 = vector.broadcast %broadcast_in_dim3A_129 : i32 to vector<16xi32>
        %broadcast_in_dim3A_131 = arith.constant 3 : i32
        %broadcast_in_dim3A_132 = vector.broadcast %broadcast_in_dim3A_131 : i32 to vector<16xi32>
        %gather3A_133 = tpu.vector_load_idx %arg6[%broadcast_in_dim3A_130, %broadcast_in_dim3A_132, %add3A_112] : memref<4x8x512xf32, #tpu.memory_space<vmem>>[vector<16xi32>, vector<16xi32>, vector<16xi32>], vector<16xf32>,
        %broadcast_in_dim3A_134 = arith.constant 0 : i32
        %broadcast_in_dim3A_135 = vector.broadcast %broadcast_in_dim3A_134 : i32 to vector<16xi32>
        %broadcast_in_dim3A_136 = arith.constant 4 : i32
        %broadcast_in_dim3A_137 = vector.broadcast %broadcast_in_dim3A_136 : i32 to vector<16xi32>
        %gather3A_138 = tpu.vector_load_idx %arg6[%broadcast_in_dim3A_135, %broadcast_in_dim3A_137, %add3A_112] : memref<4x8x512xf32, #tpu.memory_space<vmem>>[vector<16xi32>, vector<16xi32>, vector<16xi32>], vector<16xf32>,
        %broadcast_in_dim3A_139 = arith.constant 0 : i32
        %broadcast_in_dim3A_140 = vector.broadcast %broadcast_in_dim3A_139 : i32 to vector<16xi32>
        %broadcast_in_dim3A_141 = arith.constant 5 : i32
        %broadcast_in_dim3A_142 = vector.broadcast %broadcast_in_dim3A_141 : i32 to vector<16xi32>
        %gather3A_143 = tpu.vector_load_idx %arg6[%broadcast_in_dim3A_140, %broadcast_in_dim3A_142, %add3A_112] : memref<4x8x512xf32, #tpu.memory_space<vmem>>[vector<16xi32>, vector<16xi32>, vector<16xi32>], vector<16xf32>,
        %broadcast_in_dim3A_144 = arith.constant 0 : i32
        %broadcast_in_dim3A_145 = vector.broadcast %broadcast_in_dim3A_144 : i32 to vector<16xi32>
        %broadcast_in_dim3A_146 = arith.constant 6 : i32
        %broadcast_in_dim3A_147 = vector.broadcast %broadcast_in_dim3A_146 : i32 to vector<16xi32>
        %gather3A_148 = tpu.vector_load_idx %arg6[%broadcast_in_dim3A_145, %broadcast_in_dim3A_147, %add3A_112] : memref<4x8x512xf32, #tpu.memory_space<vmem>>[vector<16xi32>, vector<16xi32>, vector<16xi32>], vector<16xf32>,
        %broadcast_in_dim3A_149 = arith.constant 0 : i32
        %broadcast_in_dim3A_150 = vector.broadcast %broadcast_in_dim3A_149 : i32 to vector<16xi32>
        %broadcast_in_dim3A_151 = arith.constant 7 : i32
        %broadcast_in_dim3A_152 = vector.broadcast %broadcast_in_dim3A_151 : i32 to vector<16xi32>
        %gather3A_153 = tpu.vector_load_idx %arg6[%broadcast_in_dim3A_150, %broadcast_in_dim3A_152, %add3A_112] : memref<4x8x512xf32, #tpu.memory_space<vmem>>[vector<16xi32>, vector<16xi32>, vector<16xi32>], vector<16xf32>,
        %broadcast_in_dim3A_154 = arith.constant 1 : i32
        %broadcast_in_dim3A_155 = vector.broadcast %broadcast_in_dim3A_154 : i32 to vector<16xi32>
        %broadcast_in_dim3A_156 = arith.constant 0 : i32
        %broadcast_in_dim3A_157 = vector.broadcast %broadcast_in_dim3A_156 : i32 to vector<16xi32>
        %gather3A_158 = tpu.vector_load_idx %arg6[%broadcast_in_dim3A_155, %broadcast_in_dim3A_157, %add3A_112] : memref<4x8x512xf32, #tpu.memory_space<vmem>>[vector<16xi32>, vector<16xi32>, vector<16xi32>], vector<16xf32>,
        %broadcast_in_dim3A_159 = arith.constant 1 : i32
        %broadcast_in_dim3A_160 = vector.broadcast %broadcast_in_dim3A_159 : i32 to vector<16xi32>
        %broadcast_in_dim3A_161 = arith.constant 1 : i32
        %broadcast_in_dim3A_162 = vector.broadcast %broadcast_in_dim3A_161 : i32 to vector<16xi32>
        %gather3A_163 = tpu.vector_load_idx %arg6[%broadcast_in_dim3A_160, %broadcast_in_dim3A_162, %add3A_112] : memref<4x8x512xf32, #tpu.memory_space<vmem>>[vector<16xi32>, vector<16xi32>, vector<16xi32>], vector<16xf32>,
        %broadcast_in_dim3A_164 = arith.constant 1 : i32
        %broadcast_in_dim3A_165 = vector.broadcast %broadcast_in_dim3A_164 : i32 to vector<16xi32>
        %broadcast_in_dim3A_166 = arith.constant 2 : i32
        %broadcast_in_dim3A_167 = vector.broadcast %broadcast_in_dim3A_166 : i32 to vector<16xi32>
        %gather3A_168 = tpu.vector_load_idx %arg6[%broadcast_in_dim3A_165, %broadcast_in_dim3A_167, %add3A_112] : memref<4x8x512xf32, #tpu.memory_space<vmem>>[vector<16xi32>, vector<16xi32>, vector<16xi32>], vector<16xf32>,
        %broadcast_in_dim3A_169 = arith.constant 1 : i32
        %broadcast_in_dim3A_170 = vector.broadcast %broadcast_in_dim3A_169 : i32 to vector<16xi32>
        %broadcast_in_dim3A_171 = arith.constant 3 : i32
        %broadcast_in_dim3A_172 = vector.broadcast %broadcast_in_dim3A_171 : i32 to vector<16xi32>
        %gather3A_173 = tpu.vector_load_idx %arg6[%broadcast_in_dim3A_170, %broadcast_in_dim3A_172, %add3A_112] : memref<4x8x512xf32, #tpu.memory_space<vmem>>[vector<16xi32>, vector<16xi32>, vector<16xi32>], vector<16xf32>,
        %broadcast_in_dim3A_174 = arith.constant 1 : i32
        %broadcast_in_dim3A_175 = vector.broadcast %broadcast_in_dim3A_174 : i32 to vector<16xi32>
        %broadcast_in_dim3A_176 = arith.constant 4 : i32
        %broadcast_in_dim3A_177 = vector.broadcast %broadcast_in_dim3A_176 : i32 to vector<16xi32>
        %gather3A_178 = tpu.vector_load_idx %arg6[%broadcast_in_dim3A_175, %broadcast_in_dim3A_177, %add3A_112] : memref<4x8x512xf32, #tpu.memory_space<vmem>>[vector<16xi32>, vector<16xi32>, vector<16xi32>], vector<16xf32>,
        %broadcast_in_dim3A_179 = arith.constant 1 : i32
        %broadcast_in_dim3A_180 = vector.broadcast %broadcast_in_dim3A_179 : i32 to vector<16xi32>
        %broadcast_in_dim3A_181 = arith.constant 5 : i32
        %broadcast_in_dim3A_182 = vector.broadcast %broadcast_in_dim3A_181 : i32 to vector<16xi32>
        %gather3A_183 = tpu.vector_load_idx %arg6[%broadcast_in_dim3A_180, %broadcast_in_dim3A_182, %add3A_112] : memref<4x8x512xf32, #tpu.memory_space<vmem>>[vector<16xi32>, vector<16xi32>, vector<16xi32>], vector<16xf32>,
        %broadcast_in_dim3A_184 = arith.constant 1 : i32
        %broadcast_in_dim3A_185 = vector.broadcast %broadcast_in_dim3A_184 : i32 to vector<16xi32>
        %broadcast_in_dim3A_186 = arith.constant 6 : i32
        %broadcast_in_dim3A_187 = vector.broadcast %broadcast_in_dim3A_186 : i32 to vector<16xi32>
        %gather3A_188 = tpu.vector_load_idx %arg6[%broadcast_in_dim3A_185, %broadcast_in_dim3A_187, %add3A_112] : memref<4x8x512xf32, #tpu.memory_space<vmem>>[vector<16xi32>, vector<16xi32>, vector<16xi32>], vector<16xf32>,
        %broadcast_in_dim3A_189 = arith.constant 1 : i32
        %broadcast_in_dim3A_190 = vector.broadcast %broadcast_in_dim3A_189 : i32 to vector<16xi32>
        %broadcast_in_dim3A_191 = arith.constant 7 : i32
        %broadcast_in_dim3A_192 = vector.broadcast %broadcast_in_dim3A_191 : i32 to vector<16xi32>
        %gather3A_193 = tpu.vector_load_idx %arg6[%broadcast_in_dim3A_190, %broadcast_in_dim3A_192, %add3A_112] : memref<4x8x512xf32, #tpu.memory_space<vmem>>[vector<16xi32>, vector<16xi32>, vector<16xi32>], vector<16xf32>,
        %broadcast_in_dim3A_194 = arith.constant 2 : i32
        %broadcast_in_dim3A_195 = vector.broadcast %broadcast_in_dim3A_194 : i32 to vector<16xi32>
        %broadcast_in_dim3A_196 = arith.constant 0 : i32
        %broadcast_in_dim3A_197 = vector.broadcast %broadcast_in_dim3A_196 : i32 to vector<16xi32>
        %gather3A_198 = tpu.vector_load_idx %arg6[%broadcast_in_dim3A_195, %broadcast_in_dim3A_197, %add3A_112] : memref<4x8x512xf32, #tpu.memory_space<vmem>>[vector<16xi32>, vector<16xi32>, vector<16xi32>], vector<16xf32>,
        %broadcast_in_dim3A_199 = arith.constant 2 : i32
        %broadcast_in_dim3A_200 = vector.broadcast %broadcast_in_dim3A_199 : i32 to vector<16xi32>
        %broadcast_in_dim3A_201 = arith.constant 1 : i32
        %broadcast_in_dim3A_202 = vector.broadcast %broadcast_in_dim3A_201 : i32 to vector<16xi32>
        %gather3A_203 = tpu.vector_load_idx %arg6[%broadcast_in_dim3A_200, %broadcast_in_dim3A_202, %add3A_112] : memref<4x8x512xf32, #tpu.memory_space<vmem>>[vector<16xi32>, vector<16xi32>, vector<16xi32>], vector<16xf32>,
        %broadcast_in_dim3A_204 = arith.constant 2 : i32
        %broadcast_in_dim3A_205 = vector.broadcast %broadcast_in_dim3A_204 : i32 to vector<16xi32>
        %broadcast_in_dim3A_206 = arith.constant 2 : i32
        %broadcast_in_dim3A_207 = vector.broadcast %broadcast_in_dim3A_206 : i32 to vector<16xi32>
        %gather3A_208 = tpu.vector_load_idx %arg6[%broadcast_in_dim3A_205, %broadcast_in_dim3A_207, %add3A_112] : memref<4x8x512xf32, #tpu.memory_space<vmem>>[vector<16xi32>, vector<16xi32>, vector<16xi32>], vector<16xf32>,
        %broadcast_in_dim3A_209 = arith.constant 2 : i32
        %broadcast_in_dim3A_210 = vector.broadcast %broadcast_in_dim3A_209 : i32 to vector<16xi32>
        %broadcast_in_dim3A_211 = arith.constant 3 : i32
        %broadcast_in_dim3A_212 = vector.broadcast %broadcast_in_dim3A_211 : i32 to vector<16xi32>
        %gather3A_213 = tpu.vector_load_idx %arg6[%broadcast_in_dim3A_210, %broadcast_in_dim3A_212, %add3A_112] : memref<4x8x512xf32, #tpu.memory_space<vmem>>[vector<16xi32>, vector<16xi32>, vector<16xi32>], vector<16xf32>,
        %broadcast_in_dim3A_214 = arith.constant 2 : i32
        %broadcast_in_dim3A_215 = vector.broadcast %broadcast_in_dim3A_214 : i32 to vector<16xi32>
        %broadcast_in_dim3A_216 = arith.constant 4 : i32
        %broadcast_in_dim3A_217 = vector.broadcast %broadcast_in_dim3A_216 : i32 to vector<16xi32>
        %gather3A_218 = tpu.vector_load_idx %arg6[%broadcast_in_dim3A_215, %broadcast_in_dim3A_217, %add3A_112] : memref<4x8x512xf32, #tpu.memory_space<vmem>>[vector<16xi32>, vector<16xi32>, vector<16xi32>], vector<16xf32>,
        %broadcast_in_dim3A_219 = arith.constant 2 : i32
        %broadcast_in_dim3A_220 = vector.broadcast %broadcast_in_dim3A_219 : i32 to vector<16xi32>
        %broadcast_in_dim3A_221 = arith.constant 5 : i32
        %broadcast_in_dim3A_222 = vector.broadcast %broadcast_in_dim3A_221 : i32 to vector<16xi32>
        %gather3A_223 = tpu.vector_load_idx %arg6[%broadcast_in_dim3A_220, %broadcast_in_dim3A_222, %add3A_112] : memref<4x8x512xf32, #tpu.memory_space<vmem>>[vector<16xi32>, vector<16xi32>, vector<16xi32>], vector<16xf32>,
        %broadcast_in_dim3A_224 = arith.constant 2 : i32
        %broadcast_in_dim3A_225 = vector.broadcast %broadcast_in_dim3A_224 : i32 to vector<16xi32>
        %broadcast_in_dim3A_226 = arith.constant 6 : i32
        %broadcast_in_dim3A_227 = vector.broadcast %broadcast_in_dim3A_226 : i32 to vector<16xi32>
        %gather3A_228 = tpu.vector_load_idx %arg6[%broadcast_in_dim3A_225, %broadcast_in_dim3A_227, %add3A_112] : memref<4x8x512xf32, #tpu.memory_space<vmem>>[vector<16xi32>, vector<16xi32>, vector<16xi32>], vector<16xf32>,
        %broadcast_in_dim3A_229 = arith.constant 2 : i32
        %broadcast_in_dim3A_230 = vector.broadcast %broadcast_in_dim3A_229 : i32 to vector<16xi32>
        %broadcast_in_dim3A_231 = arith.constant 7 : i32
        %broadcast_in_dim3A_232 = vector.broadcast %broadcast_in_dim3A_231 : i32 to vector<16xi32>
        %gather3A_233 = tpu.vector_load_idx %arg6[%broadcast_in_dim3A_230, %broadcast_in_dim3A_232, %add3A_112] : memref<4x8x512xf32, #tpu.memory_space<vmem>>[vector<16xi32>, vector<16xi32>, vector<16xi32>], vector<16xf32>,
        %broadcast_in_dim3A_234 = arith.constant 3 : i32
        %broadcast_in_dim3A_235 = vector.broadcast %broadcast_in_dim3A_234 : i32 to vector<16xi32>
        %broadcast_in_dim3A_236 = arith.constant 0 : i32
        %broadcast_in_dim3A_237 = vector.broadcast %broadcast_in_dim3A_236 : i32 to vector<16xi32>
        %gather3A_238 = tpu.vector_load_idx %arg6[%broadcast_in_dim3A_235, %broadcast_in_dim3A_237, %add3A_112] : memref<4x8x512xf32, #tpu.memory_space<vmem>>[vector<16xi32>, vector<16xi32>, vector<16xi32>], vector<16xf32>,
        %broadcast_in_dim3A_239 = arith.constant 3 : i32
        %broadcast_in_dim3A_240 = vector.broadcast %broadcast_in_dim3A_239 : i32 to vector<16xi32>
        %broadcast_in_dim3A_241 = arith.constant 1 : i32
        %broadcast_in_dim3A_242 = vector.broadcast %broadcast_in_dim3A_241 : i32 to vector<16xi32>
        %gather3A_243 = tpu.vector_load_idx %arg6[%broadcast_in_dim3A_240, %broadcast_in_dim3A_242, %add3A_112] : memref<4x8x512xf32, #tpu.memory_space<vmem>>[vector<16xi32>, vector<16xi32>, vector<16xi32>], vector<16xf32>,
        %broadcast_in_dim3A_244 = arith.constant 3 : i32
        %broadcast_in_dim3A_245 = vector.broadcast %broadcast_in_dim3A_244 : i32 to vector<16xi32>
        %broadcast_in_dim3A_246 = arith.constant 2 : i32
        %broadcast_in_dim3A_247 = vector.broadcast %broadcast_in_dim3A_246 : i32 to vector<16xi32>
        %gather3A_248 = tpu.vector_load_idx %arg6[%broadcast_in_dim3A_245, %broadcast_in_dim3A_247, %add3A_112] : memref<4x8x512xf32, #tpu.memory_space<vmem>>[vector<16xi32>, vector<16xi32>, vector<16xi32>], vector<16xf32>,
        %broadcast_in_dim3A_249 = arith.constant 3 : i32
        %broadcast_in_dim3A_250 = vector.broadcast %broadcast_in_dim3A_249 : i32 to vector<16xi32>
        %broadcast_in_dim3A_251 = arith.constant 3 : i32
        %broadcast_in_dim3A_252 = vector.broadcast %broadcast_in_dim3A_251 : i32 to vector<16xi32>
        %gather3A_253 = tpu.vector_load_idx %arg6[%broadcast_in_dim3A_250, %broadcast_in_dim3A_252, %add3A_112] : memref<4x8x512xf32, #tpu.memory_space<vmem>>[vector<16xi32>, vector<16xi32>, vector<16xi32>], vector<16xf32>,
        %broadcast_in_dim3A_254 = arith.constant 3 : i32
        %broadcast_in_dim3A_255 = vector.broadcast %broadcast_in_dim3A_254 : i32 to vector<16xi32>
        %broadcast_in_dim3A_256 = arith.constant 4 : i32
        %broadcast_in_dim3A_257 = vector.broadcast %broadcast_in_dim3A_256 : i32 to vector<16xi32>
        %gather3A_258 = tpu.vector_load_idx %arg6[%broadcast_in_dim3A_255, %broadcast_in_dim3A_257, %add3A_112] : memref<4x8x512xf32, #tpu.memory_space<vmem>>[vector<16xi32>, vector<16xi32>, vector<16xi32>], vector<16xf32>,
        %broadcast_in_dim3A_259 = arith.constant 3 : i32
        %broadcast_in_dim3A_260 = vector.broadcast %broadcast_in_dim3A_259 : i32 to vector<16xi32>
        %broadcast_in_dim3A_261 = arith.constant 5 : i32
        %broadcast_in_dim3A_262 = vector.broadcast %broadcast_in_dim3A_261 : i32 to vector<16xi32>
        %gather3A_263 = tpu.vector_load_idx %arg6[%broadcast_in_dim3A_260, %broadcast_in_dim3A_262, %add3A_112] : memref<4x8x512xf32, #tpu.memory_space<vmem>>[vector<16xi32>, vector<16xi32>, vector<16xi32>], vector<16xf32>,
        %broadcast_in_dim3A_264 = arith.constant 3 : i32
        %broadcast_in_dim3A_265 = vector.broadcast %broadcast_in_dim3A_264 : i32 to vector<16xi32>
        %broadcast_in_dim3A_266 = arith.constant 6 : i32
        %broadcast_in_dim3A_267 = vector.broadcast %broadcast_in_dim3A_266 : i32 to vector<16xi32>
        %gather3A_268 = tpu.vector_load_idx %arg6[%broadcast_in_dim3A_265, %broadcast_in_dim3A_267, %add3A_112] : memref<4x8x512xf32, #tpu.memory_space<vmem>>[vector<16xi32>, vector<16xi32>, vector<16xi32>], vector<16xf32>,
        %broadcast_in_dim3A_269 = arith.constant 3 : i32
        %broadcast_in_dim3A_270 = vector.broadcast %broadcast_in_dim3A_269 : i32 to vector<16xi32>
        %broadcast_in_dim3A_271 = arith.constant 7 : i32
        %broadcast_in_dim3A_272 = vector.broadcast %broadcast_in_dim3A_271 : i32 to vector<16xi32>
        %gather3A_273 = tpu.vector_load_idx %arg6[%broadcast_in_dim3A_270, %broadcast_in_dim3A_272, %add3A_112] : memref<4x8x512xf32, #tpu.memory_space<vmem>>[vector<16xi32>, vector<16xi32>, vector<16xi32>], vector<16xf32>,
        %add3A_274 = arith.constant 0 : i32
        %add3A_275 = vector.broadcast %add3A_274 : i32 to vector<16xi32>
        %add3A_276 = arith.addi %mul3A_115, %add3A_275 : vector<16xi32>
        tpu.vector_store_idx %arg8[%add3A_276], %gather3A : memref<16384xf32, #tpu.memory_space<vmem>>[vector<16xi32>], vector<16xf32>,
        %add3A_277 = arith.constant 1 : i32
        %add3A_278 = vector.broadcast %add3A_277 : i32 to vector<16xi32>
        %add3A_279 = arith.addi %mul3A_115, %add3A_278 : vector<16xi32>
        tpu.vector_store_idx %arg8[%add3A_279], %gather3A_123 : memref<16384xf32, #tpu.memory_space<vmem>>[vector<16xi32>], vector<16xf32>,
        %add3A_280 = arith.constant 2 : i32
        %add3A_281 = vector.broadcast %add3A_280 : i32 to vector<16xi32>
        %add3A_282 = arith.addi %mul3A_115, %add3A_281 : vector<16xi32>
        tpu.vector_store_idx %arg8[%add3A_282], %gather3A_128 : memref<16384xf32, #tpu.memory_space<vmem>>[vector<16xi32>], vector<16xf32>,
        %add3A_283 = arith.constant 3 : i32
        %add3A_284 = vector.broadcast %add3A_283 : i32 to vector<16xi32>
        %add3A_285 = arith.addi %mul3A_115, %add3A_284 : vector<16xi32>
        tpu.vector_store_idx %arg8[%add3A_285], %gather3A_133 : memref<16384xf32, #tpu.memory_space<vmem>>[vector<16xi32>], vector<16xf32>,
        %add3A_286 = arith.constant 4 : i32
        %add3A_287 = vector.broadcast %add3A_286 : i32 to vector<16xi32>
        %add3A_288 = arith.addi %mul3A_115, %add3A_287 : vector<16xi32>
        tpu.vector_store_idx %arg8[%add3A_288], %gather3A_138 : memref<16384xf32, #tpu.memory_space<vmem>>[vector<16xi32>], vector<16xf32>,
        %add3A_289 = arith.constant 5 : i32
        %add3A_290 = vector.broadcast %add3A_289 : i32 to vector<16xi32>
        %add3A_291 = arith.addi %mul3A_115, %add3A_290 : vector<16xi32>
        tpu.vector_store_idx %arg8[%add3A_291], %gather3A_143 : memref<16384xf32, #tpu.memory_space<vmem>>[vector<16xi32>], vector<16xf32>,
        %add3A_292 = arith.constant 6 : i32
        %add3A_293 = vector.broadcast %add3A_292 : i32 to vector<16xi32>
        %add3A_294 = arith.addi %mul3A_115, %add3A_293 : vector<16xi32>
        tpu.vector_store_idx %arg8[%add3A_294], %gather3A_148 : memref<16384xf32, #tpu.memory_space<vmem>>[vector<16xi32>], vector<16xf32>,
        %add3A_295 = arith.constant 7 : i32
        %add3A_296 = vector.broadcast %add3A_295 : i32 to vector<16xi32>
        %add3A_297 = arith.addi %mul3A_115, %add3A_296 : vector<16xi32>
        tpu.vector_store_idx %arg8[%add3A_297], %gather3A_153 : memref<16384xf32, #tpu.memory_space<vmem>>[vector<16xi32>], vector<16xf32>,
        %add3A_298 = arith.constant 8 : i32
        %add3A_299 = vector.broadcast %add3A_298 : i32 to vector<16xi32>
        %add3A_300 = arith.addi %mul3A_115, %add3A_299 : vector<16xi32>
        tpu.vector_store_idx %arg8[%add3A_300], %gather3A_158 : memref<16384xf32, #tpu.memory_space<vmem>>[vector<16xi32>], vector<16xf32>,
        %add3A_301 = arith.constant 9 : i32
        %add3A_302 = vector.broadcast %add3A_301 : i32 to vector<16xi32>
        %add3A_303 = arith.addi %mul3A_115, %add3A_302 : vector<16xi32>
        tpu.vector_store_idx %arg8[%add3A_303], %gather3A_163 : memref<16384xf32, #tpu.memory_space<vmem>>[vector<16xi32>], vector<16xf32>,
        %add3A_304 = arith.constant 10 : i32
        %add3A_305 = vector.broadcast %add3A_304 : i32 to vector<16xi32>
        %add3A_306 = arith.addi %mul3A_115, %add3A_305 : vector<16xi32>
        tpu.vector_store_idx %arg8[%add3A_306], %gather3A_168 : memref<16384xf32, #tpu.memory_space<vmem>>[vector<16xi32>], vector<16xf32>,
        %add3A_307 = arith.constant 11 : i32
        %add3A_308 = vector.broadcast %add3A_307 : i32 to vector<16xi32>
        %add3A_309 = arith.addi %mul3A_115, %add3A_308 : vector<16xi32>
        tpu.vector_store_idx %arg8[%add3A_309], %gather3A_173 : memref<16384xf32, #tpu.memory_space<vmem>>[vector<16xi32>], vector<16xf32>,
        %add3A_310 = arith.constant 12 : i32
        %add3A_311 = vector.broadcast %add3A_310 : i32 to vector<16xi32>
        %add3A_312 = arith.addi %mul3A_115, %add3A_311 : vector<16xi32>
        tpu.vector_store_idx %arg8[%add3A_312], %gather3A_178 : memref<16384xf32, #tpu.memory_space<vmem>>[vector<16xi32>], vector<16xf32>,
        %add3A_313 = arith.constant 13 : i32
        %add3A_314 = vector.broadcast %add3A_313 : i32 to vector<16xi32>
        %add3A_315 = arith.addi %mul3A_115, %add3A_314 : vector<16xi32>
        tpu.vector_store_idx %arg8[%add3A_315], %gather3A_183 : memref<16384xf32, #tpu.memory_space<vmem>>[vector<16xi32>], vector<16xf32>,
        %add3A_316 = arith.constant 14 : i32
        %add3A_317 = vector.broadcast %add3A_316 : i32 to vector<16xi32>
        %add3A_318 = arith.addi %mul3A_115, %add3A_317 : vector<16xi32>
        tpu.vector_store_idx %arg8[%add3A_318], %gather3A_188 : memref<16384xf32, #tpu.memory_space<vmem>>[vector<16xi32>], vector<16xf32>,
        %add3A_319 = arith.constant 15 : i32
        %add3A_320 = vector.broadcast %add3A_319 : i32 to vector<16xi32>
        %add3A_321 = arith.addi %mul3A_115, %add3A_320 : vector<16xi32>
        tpu.vector_store_idx %arg8[%add3A_321], %gather3A_193 : memref<16384xf32, #tpu.memory_space<vmem>>[vector<16xi32>], vector<16xf32>,
        %add3A_322 = arith.constant 16 : i32
        %add3A_323 = vector.broadcast %add3A_322 : i32 to vector<16xi32>
        %add3A_324 = arith.addi %mul3A_115, %add3A_323 : vector<16xi32>
        tpu.vector_store_idx %arg8[%add3A_324], %gather3A_198 : memref<16384xf32, #tpu.memory_space<vmem>>[vector<16xi32>], vector<16xf32>,
        %add3A_325 = arith.constant 17 : i32
        %add3A_326 = vector.broadcast %add3A_325 : i32 to vector<16xi32>
        %add3A_327 = arith.addi %mul3A_115, %add3A_326 : vector<16xi32>
        tpu.vector_store_idx %arg8[%add3A_327], %gather3A_203 : memref<16384xf32, #tpu.memory_space<vmem>>[vector<16xi32>], vector<16xf32>,
        %add3A_328 = arith.constant 18 : i32
        %add3A_329 = vector.broadcast %add3A_328 : i32 to vector<16xi32>
        %add3A_330 = arith.addi %mul3A_115, %add3A_329 : vector<16xi32>
        tpu.vector_store_idx %arg8[%add3A_330], %gather3A_208 : memref<16384xf32, #tpu.memory_space<vmem>>[vector<16xi32>], vector<16xf32>,
        %add3A_331 = arith.constant 19 : i32
        %add3A_332 = vector.broadcast %add3A_331 : i32 to vector<16xi32>
        %add3A_333 = arith.addi %mul3A_115, %add3A_332 : vector<16xi32>
        tpu.vector_store_idx %arg8[%add3A_333], %gather3A_213 : memref<16384xf32, #tpu.memory_space<vmem>>[vector<16xi32>], vector<16xf32>,
        %add3A_334 = arith.constant 20 : i32
        %add3A_335 = vector.broadcast %add3A_334 : i32 to vector<16xi32>
        %add3A_336 = arith.addi %mul3A_115, %add3A_335 : vector<16xi32>
        tpu.vector_store_idx %arg8[%add3A_336], %gather3A_218 : memref<16384xf32, #tpu.memory_space<vmem>>[vector<16xi32>], vector<16xf32>,
        %add3A_337 = arith.constant 21 : i32
        %add3A_338 = vector.broadcast %add3A_337 : i32 to vector<16xi32>
        %add3A_339 = arith.addi %mul3A_115, %add3A_338 : vector<16xi32>
        tpu.vector_store_idx %arg8[%add3A_339], %gather3A_223 : memref<16384xf32, #tpu.memory_space<vmem>>[vector<16xi32>], vector<16xf32>,
        %add3A_340 = arith.constant 22 : i32
        %add3A_341 = vector.broadcast %add3A_340 : i32 to vector<16xi32>
        %add3A_342 = arith.addi %mul3A_115, %add3A_341 : vector<16xi32>
        tpu.vector_store_idx %arg8[%add3A_342], %gather3A_228 : memref<16384xf32, #tpu.memory_space<vmem>>[vector<16xi32>], vector<16xf32>,
        %add3A_343 = arith.constant 23 : i32
        %add3A_344 = vector.broadcast %add3A_343 : i32 to vector<16xi32>
        %add3A_345 = arith.addi %mul3A_115, %add3A_344 : vector<16xi32>
        tpu.vector_store_idx %arg8[%add3A_345], %gather3A_233 : memref<16384xf32, #tpu.memory_space<vmem>>[vector<16xi32>], vector<16xf32>,
        %add3A_346 = arith.constant 24 : i32
        %add3A_347 = vector.broadcast %add3A_346 : i32 to vector<16xi32>
        %add3A_348 = arith.addi %mul3A_115, %add3A_347 : vector<16xi32>
        tpu.vector_store_idx %arg8[%add3A_348], %gather3A_238 : memref<16384xf32, #tpu.memory_space<vmem>>[vector<16xi32>], vector<16xf32>,
        %add3A_349 = arith.constant 25 : i32
        %add3A_350 = vector.broadcast %add3A_349 : i32 to vector<16xi32>
        %add3A_351 = arith.addi %mul3A_115, %add3A_350 : vector<16xi32>
        tpu.vector_store_idx %arg8[%add3A_351], %gather3A_243 : memref<16384xf32, #tpu.memory_space<vmem>>[vector<16xi32>], vector<16xf32>,
        %add3A_352 = arith.constant 26 : i32
        %add3A_353 = vector.broadcast %add3A_352 : i32 to vector<16xi32>
        %add3A_354 = arith.addi %mul3A_115, %add3A_353 : vector<16xi32>
        tpu.vector_store_idx %arg8[%add3A_354], %gather3A_248 : memref<16384xf32, #tpu.memory_space<vmem>>[vector<16xi32>], vector<16xf32>,
        %add3A_355 = arith.constant 27 : i32
        %add3A_356 = vector.broadcast %add3A_355 : i32 to vector<16xi32>
        %add3A_357 = arith.addi %mul3A_115, %add3A_356 : vector<16xi32>
        tpu.vector_store_idx %arg8[%add3A_357], %gather3A_253 : memref<16384xf32, #tpu.memory_space<vmem>>[vector<16xi32>], vector<16xf32>,
        %add3A_358 = arith.constant 28 : i32
        %add3A_359 = vector.broadcast %add3A_358 : i32 to vector<16xi32>
        %add3A_360 = arith.addi %mul3A_115, %add3A_359 : vector<16xi32>
        tpu.vector_store_idx %arg8[%add3A_360], %gather3A_258 : memref<16384xf32, #tpu.memory_space<vmem>>[vector<16xi32>], vector<16xf32>,
        %add3A_361 = arith.constant 29 : i32
        %add3A_362 = vector.broadcast %add3A_361 : i32 to vector<16xi32>
        %add3A_363 = arith.addi %mul3A_115, %add3A_362 : vector<16xi32>
        tpu.vector_store_idx %arg8[%add3A_363], %gather3A_263 : memref<16384xf32, #tpu.memory_space<vmem>>[vector<16xi32>], vector<16xf32>,
        %add3A_364 = arith.constant 30 : i32
        %add3A_365 = vector.broadcast %add3A_364 : i32 to vector<16xi32>
        %add3A_366 = arith.addi %mul3A_115, %add3A_365 : vector<16xi32>
        tpu.vector_store_idx %arg8[%add3A_366], %gather3A_268 : memref<16384xf32, #tpu.memory_space<vmem>>[vector<16xi32>], vector<16xf32>,
        %add3A_367 = arith.constant 31 : i32
        %add3A_368 = vector.broadcast %add3A_367 : i32 to vector<16xi32>
        %add3A_369 = arith.addi %mul3A_115, %add3A_368 : vector<16xi32>
        tpu.vector_store_idx %arg8[%add3A_369], %gather3A_273 : memref<16384xf32, #tpu.memory_space<vmem>>[vector<16xi32>], vector<16xf32>,
      }
      %scan3A_92 = arith.constant 32 : i32
      %mul3A_93 = arith.constant 512 : i32
      %mul3A_94 = arith.muli %add3A_73, %mul3A_93 : i32
      %add3A_95 = arith.addi %mul3A_2, %mul3A_94 : i32
      %multiple_of3A_96 = tpu.assume_multiple %add3A_95, 128 : i32
      %mul3A_97 = arith.constant 32 : i32
      %mul3A_98 = arith.muli %multiple_of3A_96, %mul3A_97 : i32
      %dma_start3A_99 = tpu.memref_slice %arg4[%mul3A_98] : memref<32002048xf32, #tpu.memory_space<hbm>> -> memref<16384xf32, #tpu.memory_space<hbm>>
      %dma_start3A_100 = tpu.memref_slice %arg4[%mul3A_98] : memref<32002048xf32, #tpu.memory_space<hbm>> -> memref<16384xf32, #tpu.memory_space<hbm>>
      tpu.enqueue_dma source(%arg8 : memref<16384xf32, #tpu.memory_space<vmem>>) target(%dma_start3A_100 : memref<16384xf32, #tpu.memory_space<hbm>>) target_semaphore(%arg12 : memref<!tpu.dma_semaphore, #tpu.memory_space<semaphore_mem>>)
      %add3A_101 = arith.constant 2 : i32
      %add3A_102 = arith.addi %add3A_73, %add3A_101 : i32
      %lt3A_103 = arith.constant 62 : i32
      %lt3A_104 = arith.cmpi slt, %add3A_102, %lt3A_103 : i32
      %convert_element_type3A_105 = arith.extui %lt3A_104 : i1 to i32
      %cond3A_106 = arith.constant 0 : i32
      %cond3A_107 = arith.cmpi ne, %convert_element_type3A_105, %cond3A_106 : i32
      scf.if %cond3A_107 {
        %add3A_108 = arith.constant 2 : i32
        %add3A_109 = arith.addi %add3A_73, %add3A_108 : i32
        %mul3A_110 = arith.constant 512 : i32
        %mul3A_111 = arith.muli %add3A_109, %mul3A_110 : i32
        %add3A_112 = arith.addi %mul3A_2, %mul3A_111 : i32
        %multiple_of3A_113 = tpu.assume_multiple %add3A_112, 128 : i32
        %dma_start3A_114 = arith.constant 0 : i32
        %dma_start3A_115 = arith.constant 0 : i32
        %dma_start3A_116 = tpu.memref_slice %arg2[%dma_start3A_114, %dma_start3A_115, %multiple_of3A_113] : memref<4x8x1000000xf32, #tpu.memory_space<hbm>> -> memref<4x8x512xf32, #tpu.memory_space<hbm>>
        %dma_start3A_117 = arith.constant 0 : i32
        %dma_start3A_118 = arith.constant 0 : i32
        %dma_start3A_119 = tpu.memref_slice %arg2[%dma_start3A_117, %dma_start3A_118, %multiple_of3A_113] : memref<4x8x1000000xf32, #tpu.memory_space<hbm>> -> memref<4x8x512xf32, #tpu.memory_space<hbm>>
        tpu.enqueue_dma source(%dma_start3A_119 : memref<4x8x512xf32, #tpu.memory_space<hbm>>) target(%arg6 : memref<4x8x512xf32, #tpu.memory_space<vmem>>) target_semaphore(%arg10 : memref<!tpu.dma_semaphore, #tpu.memory_space<semaphore_mem>>)
      } else {
      }
    }
    %scan3A_23 = arith.constant 31 : i32
    %dma_wait3A = arith.constant 0 : i32
    %dma_wait3A_24 = tpu.memref_slice %arg4[%dma_wait3A] : memref<32002048xf32, #tpu.memory_space<hbm>> -> memref<16384xf32, #tpu.memory_space<hbm>>
    %dma_wait3A_25 = arith.constant 0 : i32
    %dma_wait3A_26 = tpu.memref_slice %arg4[%dma_wait3A_25] : memref<32002048xf32, #tpu.memory_space<hbm>> -> memref<16384xf32, #tpu.memory_space<hbm>>
    tpu.wait_dma2 semaphore(%arg11 : memref<!tpu.dma_semaphore, #tpu.memory_space<semaphore_mem>>) src(%arg7 : memref<16384xf32, #tpu.memory_space<vmem>>) dst(%dma_wait3A_26 : memref<16384xf32, #tpu.memory_space<hbm>>)
    %dma_wait3A_27 = arith.constant 0 : i32
    %dma_wait3A_28 = tpu.memref_slice %arg4[%dma_wait3A_27] : memref<32002048xf32, #tpu.memory_space<hbm>> -> memref<16384xf32, #tpu.memory_space<hbm>>
    %dma_wait3A_29 = arith.constant 0 : i32
    %dma_wait3A_30 = tpu.memref_slice %arg4[%dma_wait3A_29] : memref<32002048xf32, #tpu.memory_space<hbm>> -> memref<16384xf32, #tpu.memory_space<hbm>>
    tpu.wait_dma2 semaphore(%arg12 : memref<!tpu.dma_semaphore, #tpu.memory_space<semaphore_mem>>) src(%arg8 : memref<16384xf32, #tpu.memory_space<vmem>>) dst(%dma_wait3A_30 : memref<16384xf32, #tpu.memory_space<hbm>>)
    %eq3A = arith.constant 0 : i32
    %eq3A_31 = arith.cmpi eq, %add3A, %eq3A : i32
    %convert_element_type3A = arith.extui %eq3A_31 : i1 to i32
    %cond3A = arith.constant 0 : i32
    %cond3A_32 = arith.cmpi ne, %convert_element_type3A, %cond3A : i32
    scf.if %cond3A_32 {
      "tpu.region"() ({
        %run_scoped3A = tpu.sem_alloc : memref<!tpu.dma_semaphore, #tpu.memory_space<semaphore_mem>>
        %dma_start3A_33 = arith.constant 0 : i32
        %dma_start3A_34 = tpu.memref_slice %arg7[%dma_start3A_33] : memref<16384xf32, #tpu.memory_space<vmem>> -> memref<4096xf32, #tpu.memory_space<vmem>>
        %dma_start3A_35 = arith.constant 0 : i32
        %dma_start3A_36 = tpu.memref_slice %arg7[%dma_start3A_35] : memref<16384xf32, #tpu.memory_space<vmem>> -> memref<4096xf32, #tpu.memory_space<vmem>>
        tpu.enqueue_dma source(%arg3 : memref<4096xf32, #tpu.memory_space<hbm>>) target(%dma_start3A_36 : memref<4096xf32, #tpu.memory_space<vmem>>) target_semaphore(%run_scoped3A : memref<!tpu.dma_semaphore, #tpu.memory_space<semaphore_mem>>)
        %dma_wait3A_37 = arith.constant 0 : i32
        %dma_wait3A_38 = tpu.memref_slice %arg7[%dma_wait3A_37] : memref<16384xf32, #tpu.memory_space<vmem>> -> memref<4096xf32, #tpu.memory_space<vmem>>
        %dma_wait3A_39 = arith.constant 0 : i32
        %dma_wait3A_40 = tpu.memref_slice %arg7[%dma_wait3A_39] : memref<16384xf32, #tpu.memory_space<vmem>> -> memref<4096xf32, #tpu.memory_space<vmem>>
        tpu.wait_dma2 semaphore(%run_scoped3A : memref<!tpu.dma_semaphore, #tpu.memory_space<semaphore_mem>>) src(%arg3 : memref<4096xf32, #tpu.memory_space<hbm>>) dst(%dma_wait3A_40 : memref<4096xf32, #tpu.memory_space<vmem>>)
        tpu.yield
      }) : () -> ()
      "tpu.region"() ({
        %run_scoped3A = tpu.sem_alloc : memref<!tpu.dma_semaphore, #tpu.memory_space<semaphore_mem>>
        %dma_start3A_33 = arith.constant 0 : i32
        %dma_start3A_34 = tpu.memref_slice %arg7[%dma_start3A_33] : memref<16384xf32, #tpu.memory_space<vmem>> -> memref<4096xf32, #tpu.memory_space<vmem>>
        %dma_start3A_35 = arith.constant 31997952 : i32
        %dma_start3A_36 = tpu.memref_slice %arg4[%dma_start3A_35] : memref<32002048xf32, #tpu.memory_space<hbm>> -> memref<4096xf32, #tpu.memory_space<hbm>>
        %dma_start3A_37 = arith.constant 31997952 : i32
        %dma_start3A_38 = tpu.memref_slice %arg4[%dma_start3A_37] : memref<32002048xf32, #tpu.memory_space<hbm>> -> memref<4096xf32, #tpu.memory_space<hbm>>
        %dma_start3A_39 = arith.constant 0 : i32
        %dma_start3A_40 = tpu.memref_slice %arg7[%dma_start3A_39] : memref<16384xf32, #tpu.memory_space<vmem>> -> memref<4096xf32, #tpu.memory_space<vmem>>
        tpu.enqueue_dma source(%dma_start3A_40 : memref<4096xf32, #tpu.memory_space<vmem>>) target(%dma_start3A_38 : memref<4096xf32, #tpu.memory_space<hbm>>) target_semaphore(%run_scoped3A : memref<!tpu.dma_semaphore, #tpu.memory_space<semaphore_mem>>)
        %dma_wait3A_41 = arith.constant 0 : i32
        %dma_wait3A_42 = tpu.memref_slice %arg7[%dma_wait3A_41] : memref<16384xf32, #tpu.memory_space<vmem>> -> memref<4096xf32, #tpu.memory_space<vmem>>
        %dma_wait3A_43 = arith.constant 31997952 : i32
        %dma_wait3A_44 = tpu.memref_slice %arg4[%dma_wait3A_43] : memref<32002048xf32, #tpu.memory_space<hbm>> -> memref<4096xf32, #tpu.memory_space<hbm>>
        %dma_wait3A_45 = arith.constant 31997952 : i32
        %dma_wait3A_46 = tpu.memref_slice %arg4[%dma_wait3A_45] : memref<32002048xf32, #tpu.memory_space<hbm>> -> memref<4096xf32, #tpu.memory_space<hbm>>
        %dma_wait3A_47 = arith.constant 0 : i32
        %dma_wait3A_48 = tpu.memref_slice %arg7[%dma_wait3A_47] : memref<16384xf32, #tpu.memory_space<vmem>> -> memref<4096xf32, #tpu.memory_space<vmem>>
        tpu.wait_dma2 semaphore(%run_scoped3A : memref<!tpu.dma_semaphore, #tpu.memory_space<semaphore_mem>>) src(%dma_wait3A_48 : memref<4096xf32, #tpu.memory_space<vmem>>) dst(%dma_wait3A_46 : memref<4096xf32, #tpu.memory_space<hbm>>)
        tpu.yield
      }) : () -> ()
    } else {
    }
    return
  }
}

</mosaic_0001>

<sc_bundles>
// kernel: _convert.3.cloned.1.call-start
scs
__scs_entry_jumppad:
0x0: {  	(pc) =	sbr.rel $0x88, $3  }
0x1: {  	(tag) =	ssettag $0x0;
	lr =	simm.s32 $0x1  }
0x2: {  	[smem:$0x3F9F] =	sst lr;
	_ =	strace $0xD0000000  }
0x3: {  	_ = 	snop  }
0x4: {  	_ = 	snop  }
0x5: {  	_ = 	snop  }
0x6: {  	_ = 	snop  }
0x7: {  	_ = 	snop  }
__scs_overlays_trampoline_lowered:
0x8: {  	[smem:$0x3FAE] =	sst s0  }
0x9: {  	[smem:$0x3FAF] =	sst s1  }
0xa: {  	[smem:$0x3FB0] =	sst s2  }
0xb: {  	[smem:$0x3FB1] =	sst s3  }
0xc: {  	[smem:$0x3FB2] =	sst s4  }
0xd: {  	[smem:$0x3FB3] =	sst s5  }
0xe: {  	[smem:$0x3FB4] =	sst s6  }
0xf: {  	[smem:$0x3FB5] =	sst s7  }
0x10: {  	[smem:$0x3FB6] =	sst s8  }
0x11: {  	[smem:$0x3FB7] =	sst s9;
	s0 =	simm.s32 @!p0 $0x0  }
0x12: {  	s1 =	sld [smem:$0x3F9D];
	s0 =	simm.s32 @p0 $0x1  }
0x13: {  	[smem:$0x3FB8] =	sst s0;
	s0 =	simm.s32 @!p1 $0x0  }
0x14: {  	s2 =	sld [smem:$0x3F9C];
	s0 =	simm.s32 @p1 $0x1  }
0x15: {  	[smem:$0x3FB9] =	sst s0;
	s0 =	simm.s32 @!p2 $0x0  }
0x16: {  	s3 =	sld [smem:$0x3FDB];
	s0 =	simm.s32 @p2 $0x1  }
0x17: {  	s4 =	simm.s32 $0x1BF5;
	[smem:$0x3FBB] =	sst s0  }
0x18: {  	s0 =	sld [smem:$0x3F9E];
	_ =	swait.ge [sflag:s4], $0x0  }
0x19: {  	s7 =	sld [smem:$0x3F9F]  }
0x1a: {  	s8 =	sadd.s32 $0xFFFFE003, lr  }
0x1b: {  	s9 =	sadd.s32 $0xFFFFFEF7, lr;
	s5 =	simm.s32 $0xFFFFFFFF;
	p2 =	slt.u32 s8, $0xFFFFF086  }
0x1c: {  	p1 =	slt.u32 s9, $0xF7A;
	s5 =	simm.s32 @!p2 $0x0  }
0x1d: {  	s5 =	simm.s32 @p1 $0x1;
	p0 =	seq.s32 s7, s2  }
0x1e: {  	s7 =	smul.u32 @!p0 $0xF7A, s2;
	p2 =	seq.s32 @!p0 s5, $0x0  }
0x1f: {  	s9 =	smul.u32 $0xF7A, s1;
	s8 =	simm.s32 @!p0 $0x1BF5;
	p2 =	por !p2, p0  }
0x20: {  	[sflag:s8] =	ssyncset.s32 @!p0 $0xFFFFF086;
	s6 =	sadd.s32 @!p0 s3, s7;
	s7 =	simm.s32 @!p0 $0x108  }
0x21: {  	s3 =	sadd.s32 s3, s9;
	s6 =	sadd.s32 @!p0 $0x88, s6;
	s7 =	simm.s32 @p2 $0x1082  }
0x22: {  	[simem:s7], [sflag:s8] =	dma.local @!p0 [hbm:s6], $0xF7A  }
0x23: {  	s9 =	sor.u32 $0xD0000000, s2;
	s6 =	simm.s32 $0x108;
	_ =	swait.ge @!p0 [sflag:s8], $0x0  }
0x24: {  	s3 =	sadd.s32 $0x88, s3;
	s6 =	simm.s32 @!p1 $0x1082;
	[sflag:s4] =	ssyncset.s32 $0xFFFFF086  }
0x25: {  	[simem:s6], [sflag:s4] =	dma.local [hbm:s3], $0xF7A  }
0x26: {  	[smem:$0x3F9F] =	sst s1;
	(tag) =	ssettag s2;
	_ =	strace s9  }
0x27: {  	s1 =	sld [smem:$0x3FAF]  }
0x28: {  	s2 =	sld [smem:$0x3FB0]  }
0x29: {  	s4 =	sld [smem:$0x3FB2]  }
0x2a: {  	p0 =	seq.s32 s5, $0x0;
	s5 =	sld [smem:$0x3FB3]  }
0x2b: {  	s6 =	sld [smem:$0x3FB4]  }
0x2c: {  	s7 =	sld [smem:$0x3FB5]  }
0x2d: {  	s3 =	simm.s32 $0x108;
	s8 =	sld [smem:$0x3FB6]  }
0x2e: {  	s3 =	simm.s32 @!p0 $0x1082;
	s9 =	sld [smem:$0x3FB7]  }
0x2f: {  	lr =	sadd.s32 s0, s3;
	s0 =	sld [smem:$0x3FAE]  }
0x30: {  	s3 =	sld [smem:$0x3FB1]  }
0x31: {  	[smem:$0x3FBA] =	sst s10  }
0x32: {  	s10 =	sld [smem:$0x3FB8];
	_ =	sdelay $0x3  }
0x33: {  	p0 =	seq.s32 s10, $0x1;
	s10 =	sld [smem:$0x3FBA];
	_ =	sdelay $0x3  }
0x34: {  	[smem:$0x3FBA] =	sst s10  }
0x35: {  	s10 =	sld [smem:$0x3FB9];
	_ =	sdelay $0x3  }
0x36: {  	p1 =	seq.s32 s10, $0x1;
	s10 =	sld [smem:$0x3FBA];
	_ =	sdelay $0x3  }
0x37: {  	[smem:$0x3FBA] =	sst s10  }
0x38: {  	s10 =	sld [smem:$0x3FBB]  }
0x39: {  	_ = 	snop;
	(pc) =	sbr.ind lr, $3  }
0x3a: {  	_ = 	snop  }
0x3b: {  	_ = 	snop  }
0x3c: {  	p2 =	seq.s32 s10, $0x1;
	s10 =	sld [smem:$0x3FBA]  }
0x3d: {  	_ =	shalt  }
0x3e: {  	_ =	shalt  }
0x3f: {  	_ =	shalt  }
0x40: {  	_ =	shalt  }
0x41: {  	_ =	shalt  }
0x42: {  	_ =	shalt  }
0x43: {  	_ =	shalt  }
0x44: {  	_ =	shalt  }
0x45: {  	_ =	shalt  }
0x46: {  	_ =	shalt  }
0x47: {  	_ =	shalt  }
0x48: {  	_ =	shalt  }
0x49: {  	_ =	shalt  }
0x4a: {  	_ =	shalt  }
0x4b: {  	_ =	shalt  }
0x4c: {  	_ =	shalt  }
0x4d: {  	_ =	shalt  }
0x4e: {  	_ =	shalt  }
0x4f: {  	_ =	shalt  }
0x50: {  	_ =	shalt  }
0x51: {  	_ =	shalt  }
0x52: {  	_ =	shalt  }
0x53: {  	_ =	shalt  }
0x54: {  	_ =	shalt  }
0x55: {  	_ =	shalt  }
0x56: {  	_ =	shalt  }
0x57: {  	_ =	shalt  }
0x58: {  	_ =	shalt  }
0x59: {  	_ =	shalt  }
0x5a: {  	_ =	shalt  }
0x5b: {  	_ =	shalt  }
0x5c: {  	_ =	shalt  }
0x5d: {  	_ =	shalt  }
0x5e: {  	_ =	shalt  }
0x5f: {  	_ =	shalt  }
0x60: {  	_ =	shalt  }
0x61: {  	_ =	shalt  }
0x62: {  	_ =	shalt  }
0x63: {  	_ =	shalt  }
0x64: {  	_ =	shalt  }
0x65: {  	_ =	shalt  }
0x66: {  	_ =	shalt  }
0x67: {  	_ =	shalt  }
0x68: {  	_ =	shalt  }
0x69: {  	_ =	shalt  }
0x6a: {  	_ =	shalt  }
0x6b: {  	_ =	shalt  }
0x6c: {  	_ =	shalt  }
0x6d: {  	_ =	shalt  }
0x6e: {  	_ =	shalt  }
0x6f: {  	_ =	shalt  }
0x70: {  	_ =	shalt  }
0x71: {  	_ =	shalt  }
0x72: {  	_ =	shalt  }
0x73: {  	_ =	shalt  }
0x74: {  	_ =	shalt  }
0x75: {  	_ =	shalt  }
0x76: {  	_ =	shalt  }
0x77: {  	_ =	shalt  }
0x78: {  	_ =	shalt  }
0x79: {  	_ =	shalt  }
0x7a: {  	_ =	shalt  }
0x7b: {  	_ =	shalt  }
0x7c: {  	_ =	shalt  }
0x7d: {  	_ =	shalt  }
0x7e: {  	_ =	shalt  }
0x7f: {  	_ =	shalt  }
0x80: {  	_ =	shalt  }
0x81: {  	_ =	shalt  }
0x82: {  	_ =	shalt  }
0x83: {  	_ =	shalt  }
0x84: {  	_ =	shalt  }
0x85: {  	_ =	shalt  }
0x86: {  	_ =	shalt  }
0x87: {  	_ =	shalt  }
.Lfunc_end0:
.L_simem_size_0:
called_computation_lowered:
.L_overlay_start_0:
0x88: {  	s2 =	sld [smem:$0x3FD9]  }
0x89: {  	s3 =	sld [smem:$0x3FFE];
	_ =	sdelay $0x1  }
0x8a: {  	s1 =	srdreg.scid  }
0x8b: {  	s0 =	sand.u32 $0x1, s1  }
0x8c: {  	s18 =	sshll.u32 s0, $0xA;
	s2 =	sadd.s32 s3, s2  }
0x8d: {  	s2 =	sadd.s32 s2, s18  }
0x8e: {  	[smem:$0x3FC6] =	sst s2  }
0x8f: {  	_ = 	snop  }
0x90: {  	s2 =	sld [smem:$0x3FC9]  }
0x91: {  	s19 =	sld [smem:$0x3FC8]  }
0x92: {  	s4 =	sld [smem:$0x3FD0];
	(tm) =	ssettm $0x1  }
0x93: {  	s5 =	sld [smem:$0x3FFB];
	_ =	sdelay $0x3  }
0x94: {  	_ =	strace s5  }
0x95: {  	s5 =	sld [smem:$0x3FFC];
	_ =	sdelay $0x3  }
0x96: {  	_ =	strace s5  }
0x97: {  	s5 =	sld [smem:$0x3FFD];
	_ =	sdelay $0x3  }
0x98: {  	_ =	strace s5  }
0x99: {  	_ =	strace $0x8FFFFFFF  }
0x9a: {  	s20 =	sld [smem:$0x3FDB];
	_ =	sdelay $0x1  }
0x9b: {  	s6 =	simm.s32 $_scs_section_size  }
0x9c: {  	s7 =	simm.s32 $_size__tile_overlayer_lowered;
	s8 =	simm.s32 $_tile_overlayer_lowered  }
0x9d: {  	s23 =	simm.s32 $0x1BFF;
	s22 =	sshll.u32 s8, $0x1;
	s5 =	sadd.s32 s6, s20  }
0x9e: {  	s9 =	simm.s32 $0x0;
	s21 =	sshll.u32 s7, $0x1;
	s7 =	sadd.s32 s22, s5  }
0x9f: {  	[timem:s9], [sflag:s23] =	dma.local [hbm:s7], s21  }
0xa0: {  	_ =	swait.ge [sflag:s23], s21  }
0xa1: {  	s6 =	ssub.s32 $0x0, s21;
	[sflag:s23] =	ssyncset.done $0x0  }
0xa2: {  	[sflag:s23] =	ssyncadd.s32 s6;
	_ =	sdelay $0x1  }
0xa3: {  	s24 =	simm.s32 $0x1B8B  }
0xa4: {  	_ =	swait.ge [sflag:s24], $0x1  }
0xa5: {  	[sflag:s24] =	ssyncset.done $0x0  }
0xa6: {  	s25 =	simm.s32 $0x1B8E;
	[sflag:s24] =	ssyncadd.s32 $0xFFFFFFFF  }
0xa7: {  	s26 =	simm.s32 $execute0_lowered;
	[smem:$0x3FD2] =	sst s25  }
0xa8: {  	s6 =	sshll.u32 s26, $0x1;
	_ =	strace $0x80000046;
	[dreg:$0x1] =	wrdreg $0xFFFFFFFF  }
0xa9: {  	s28 =	simm.s32 $_size_execute0_lowered;
	s5 =	sadd.s32 s5, s6;
	[dreg:$0x0] =	wrdreg $0x0  }
0xaa: {  	s6 =	sshll.u32 s28, $0x1;
	[dreg:$0x2] =	wrdreg s5  }
0xab: {  	[dreg:$0x3] =	wrdreg s6  }
0xac: {  	[dreg:$0x4] =	wrdreg $0xC0  }
0xad: {  	_ =	task [dreg:s9], $0x5FFFF  }
0xae: {  	[dreg:$0x1] =	wrdreg $0xFFFFFFFF  }
0xaf: {  	[dreg:$0x0] =	wrdreg $0x60  }
0xb0: {  	[dreg:$0x2] =	wrdreg s2  }
0xb1: {  	[dreg:$0x3] =	wrdreg s19  }
0xb2: {  	[dreg:$0x4] =	wrdreg s4  }
0xb3: {  	[dreg:$0x5] =	wrdreg $0x9  }
0xb4: {  	_ =	task.clear_ibuf [dreg:s9], $0x6FFFF;
	_ =	strace $0x90000046  }
0xb5: {  	s29 =	simm.s32 $0x9;
	_ =	strace $0x80000048  }
0xb6: {  	_ =	swait.ge [sflag:s29], $0x1  }
0xb7: {  	[sflag:s29] =	ssyncadd.s32 $0xFFFFFFFF  }
0xb8: {  	_ =	strace $0x90000048  }
0xb9: {  	_ =	sfence  }
0xba: {  	s30 =	sld [smem:$0x0];
	_ =	sdelay $0x2  }
0xbb: {  	s31 =	sshll.u32 s1, $0xD;
	s1 =	sshrl.u32 s1, $0x2  }
0xbc: {  	s3 =	sand.u32 $0x4000, s31;
	s1 =	sadd.s32 s1, s30  }
0xbd: {  	s0 =	sor.u32 s3, s0;
	s1 =	sshll.u32 s1, $0x11  }
0xbe: {  	s0 =	sor.u32 s1, s0  }
0xbf: {  	s0 =	sadd.s32 $0x8F2B, s0  }
0xc0: {  	[sflag:s0] =	ssyncadd.remote.s32 $0x1  }
0xc1: {  	_ =	sfence.sel $0xFFFF  }
0xc2: {  	[dreg:$0x0] =	wrdreg $0xFFFFFFFF;
	(pc) =	sbr.abs _section_cstart, $3  }
0xc3: {  	[dreg:$0x1] =	wrdreg $0xFFFFFFFF  }
0xc4: {  	_ =	task.clear_ibuf [dreg:s9], $0x2FFFF;
	_ =	strace $0x9FFFFFFF  }
0xc5: {  	(tm) =	ssettm $0x7FFFFFFF  }
tec
execute0_lowered:
.L_overlay_start_1:
0x0: {  	(tag) =	ssettag $0x1  }
0x1: {  	s1 =	rddreg [dreg:$0x0]  }
0x2: {  	s2 =	srdreg.scid;
	s3 =	rddreg [dreg:$0x1]  }
0x3: {  	s0 =	stileid.u32;
	s4 =	rddreg [dreg:$0x2]  }
0x4: {  	s5 =	simm.s32 $0x0;
	s14 =	simm.s32 $0x1000;
	s15 =	simm.s32 $0x7A1400  }
0x5: {  	s16 =	simm.s32 $0x4000;
	s17 =	simm.s32 $0x1;
	s18 =	simm.s32 $0x8000  }
0x6: {  	s19 =	simm.s32 $0x2;
	s6 =	sand.u32 $0x1, s2;
	s30 =	sshll.u32 s0, $0x1  }
0x7: {  	s20 =	simm.s32 $0x4;
	s21 =	simm.s32 $0xC000;
	s22 =	sor.u32 s6, s30  }
0x8: {  	s23 =	simm.s32 $0x0;
	s2 =	rddreg [dreg:$0x3];
	s10 =	smul.u32 $0x3D000, s22  }
0x9: {  	[smem:$0x7FF] =	sst s5;
	s11 =	sadd.s32 $0x3D0800, s4;
	s8 =	smul.u32 $0x7A00, s22  }
0xa: {  	s6 =	ssub.s32 $0x2, s6;
	_ =	strace $0x80000047;
	s13 =	smul.u32 $0x1E800, s22  }
.Ltmp0:
0xb: {  	s7 =	sshrl.u32 s6, $0x1;
	p0 =	sne.s32 s22, $0x0;
	(pc) =	sbr.rel .LBB2_1-.Ltmp0, $4  }
0xc: {  	s12 =	ssub.s32 s6, s7;
	s9 =	sshrl.u32 s10, $0x3;
	s6 =	sadd.s32 s1, s8  }
0xd: {  	s8 =	smul.u32 $0xF4000, s22;
	s12 =	smax.u32 s12, $0x1;
	s13 =	sadd.s32 s4, s13  }
0xe: {  	s22 =	simm.s32 $0x3;
	s31 =	sadd.s32 s1, s9;
	s9 =	sadd.s32 $0x2000, s10  }
0xf: {  	v0 =	vlaneseq.u32;
	s10 =	sadd.s32 $0x3000, s10;
	s13 =	sadd.s32 $0x800, s13;
	s7 =	sadd.s32 $0x200, s31  }
.LBB2_12:
0x10: {  	_ =	swait.ge [sflag:s22], $0x4000  }
0x11: {  	[sflag:s22] =	ssyncset.done $0x0  }
0x12: {  	[sflag:s22] =	ssyncadd.s32 $0xFFFFC000  }
0x13: {  	_ =	swait.ge [sflag:s20], $0x4000  }
0x14: {  	s24 =	simm.s32 @!p0 $0x0;
	[sflag:s20] =	ssyncset.done $0x0  }
0x15: {  	s25 =	simm.s32 @!p0 $0x8000;
	s26 =	simm.s32 @!p0 $0x5;
	[sflag:s20] =	ssyncadd.s32 $0xFFFFC000  }
0x16: {  	[tilespmem:s25], [sflag:$0x5] =	stream.linear.gather @!p0 [hbm4b:s3+s24], $0x1000, $0x38;
	[tilespmem:$0x10000] =	vst v63  }
0x17: {  	s23 =	sadd.s32 $0x1, s23;
	_ =	swait.ge @!p0 [sflag:s26], $0x1000  }
0x18: {  	p1 =	sne.s32 s23, s12;
	[sflag:s26] =	ssyncset.done @!p0 $0x0  }
.Ltmp1:
0x19: {  	[sflag:s26] =	ssyncadd.s32 @!p0 $0xFFFFF000;
	(pc) =	sbr.rel @!p1 .LBB2_13-.Ltmp1, $4  }
0x1a: {  	[hbm4b:s11+s24] =	stream.linear.scatter @!p0 [tilespmem:s25], [sflag:$0x5], $0x1000, $0x38;
	[tilespmem:$0x10000] =	vst v63  }
0x1b: {  	_ =	swait.ge @!p0 [sflag:s26], $0x1000  }
0x1c: {  	[sflag:s26] =	ssyncset.done @!p0 $0x0  }
0x1d: {  	[sflag:s26] =	ssyncadd.s32 @!p0 $0xFFFFF000  }
.LBB2_1:
0x1e: {  	[tilespmem:s5], [sflag:$0x1] =	stream.strided.gather [hbm4b:s6+s14], $0x4000, s15, s14, $0x38;
	[tilespmem:$0x10000] =	vst v63  }
0x1f: {  	s24 =	simm.s32 $0x0  }
0x20: {  	[tilespmem:s16], [sflag:$0x2] =	stream.strided.gather [hbm4b:s7+s14], $0x4000, s15, s14, $0x38;
	[tilespmem:$0x10000] =	vst v63  }
.LBB2_2:
0x21: {  	s25 =	simm.s32 $0x0  }
0x22: {  	v1 =	vmov s25  }
0x23: {  	v14 =	vor.u32 s25, v0;
	v1 =	vshll.u32 v1, $0x3  }
0x24: {  	_ =	swait.ge [sflag:s17], $0x4000;
	v2 =	vand.u32 $0x7F, v14;
	v3 =	vand.u32 $0xC00, v1  }
0x25: {  	p1 =	seq.s32 s24, $0x0;
	[sflag:s17] =	ssyncset.done $0x0;
	v18 =	vor.u32 v2, v3  }
0x26: {  	s25 =	simm.s32 @!p1 $0x3;
	[sflag:s17] =	ssyncadd.s32 $0xFFFFC000;
	v3 =	vor.u32 $0x180, v18  }
0x27: {  	_ =	swait.ge @!p1 [sflag:s25], $0x4000;
	v4 =	vor.u32 $0x300, v18  }
0x28: {  	[sflag:s25] =	ssyncset.done @!p1 $0x0;
	v5 =	vor.u32 $0x280, v18  }
0x29: {  	[sflag:s25] =	ssyncadd.s32 @!p1 $0xFFFFC000;
	v6 =	vor.u32 $0x80, v18  }
0x2a: {  	v7 =	vor.u32 $0x200, v18;
	v29 =	vld.idx.msk [tilespmem:v18+s5+$0x0], $0xffff  }
0x2b: {  	v8 =	vor.u32 $0x1100, v18;
	v32 =	vld.idx.msk [tilespmem:v3+s5+$0x0], $0xffff  }
0x2c: {  	v13 =	vor.u32 $0x1080, v18;
	v12 =	vld.idx.msk [tilespmem:v4+s5+$0x0], $0xffff  }
0x2d: {  	v21 =	vor.u32 $0x1000, v18;
	v15 =	vld.idx.msk [tilespmem:v5+s5+$0x0], $0xffff  }
0x2e: {  	v25 =	vor.u32 $0x100, v18;
	v30 =	vld.idx.msk [tilespmem:v6+s5+$0x0], $0xffff  }
0x2f: {  	v26 =	vor.u32 $0x1300, v18;
	v33 =	vld.idx.msk [tilespmem:v7+s5+$0x0], $0xffff  }
0x30: {  	v28 =	vor.u32 $0x1280, v18;
	v16 =	vld.idx.msk [tilespmem:v8+s5+$0x0], $0xffff  }
0x31: {  	v3 =	vor.u32 $0x2200, v18;
	v19 =	vld.idx.msk [tilespmem:v13+s5+$0x0], $0xffff  }
0x32: {  	v4 =	vor.u32 v1, v2;
	v1 =	vor.u32 $0x3180, v18;
	v23 =	vld.idx.msk [tilespmem:v21+s5+$0x0], $0xffff  }
0x33: {  	v8 =	vor.u32 $0x2180, v18;
	v34 =	vld.idx.msk [tilespmem:v25+s5+$0x0], $0xffff  }
0x34: {  	v21 =	vld.idx.msk [tilespmem:v26+s5+$0x0], $0xffff;
	v2 =	vor.u32 $0x1380, v4  }
0x35: {  	v5 =	vor.u32 $0x3300, v18;
	v25 =	vld.idx.msk [tilespmem:v28+s5+$0x0], $0xffff  }
0x36: {  	v9 =	vor.u32 $0x3100, v18;
	v6 =	vld.idx.msk [tilespmem:v3+s5+$0x0], $0xffff  }
0x37: {  	v26 =	vor.u32 $0x2080, v18;
	v3 =	vld.idx.msk [tilespmem:v1+s5+$0x0], $0xffff  }
0x38: {  	v7 =	vor.u32 $0x3380, v4;
	v10 =	vld.idx.msk [tilespmem:v8+s5+$0x0], $0xffff  }
0x39: {  	v17 =	vor.u32 $0x3280, v18;
	v11 =	vld.idx.msk [tilespmem:v2+s5+$0x0], $0xffff  }
0x3a: {  	v20 =	vor.u32 $0x2380, v4;
	v2 =	vld.idx.msk [tilespmem:v5+s5+$0x0], $0xffff  }
0x3b: {  	v5 =	vld.idx.msk [tilespmem:v9+s5+$0x0], $0xffff;
	v9 =	vor.u32 $0x380, v4  }
0x3c: {  	v13 =	vor.u32 $0x3080, v18;
	v26 =	vld.idx.msk [tilespmem:v26+s5+$0x0], $0xffff  }
0x3d: {  	v22 =	vor.u32 $0x3000, v18;
	v1 =	vld.idx.msk [tilespmem:v7+s5+$0x0], $0xffff  }
0x3e: {  	v4 =	vld.idx.msk [tilespmem:v17+s5+$0x0], $0xffff;
	v17 =	vor.u32 $0x1200, v18  }
0x3f: {  	v27 =	vor.u32 $0x2300, v18;
	v8 =	vld.idx.msk [tilespmem:v20+s5+$0x0], $0xffff  }
0x40: {  	v31 =	vor.u32 $0x2280, v18;
	v24 =	vld.idx.msk [tilespmem:v9+s5+$0x0], $0xffff  }
0x41: {  	v7 =	vor.u32 $0x3200, v18;
	v9 =	vld.idx.msk [tilespmem:v13+s5+$0x0], $0xffff  }
0x42: {  	v13 =	vld.idx.msk [tilespmem:v22+s5+$0x0], $0xffff;
	v22 =	vor.u32 $0x1180, v18  }
0x43: {  	v35 =	vor.u32 $0x2100, v18;
	v20 =	vld.idx.msk [tilespmem:v17+s5+$0x0], $0xffff  }
0x44: {  	v14 =	vshll.u32 v14, $0x5;
	v17 =	vld.idx.msk [tilespmem:v27+s5+$0x0], $0xffff;
	v27 =	vor.u32 $0x2000, v18  }
0x45: {  	v18 =	vld.idx.msk [tilespmem:v31+s5+$0x0], $0xffff;
	v31 =	vor.u32 $0x1, v14  }
0x46: {  	v36 =	vor.u32 $0x2, v14;
	v7 =	vld.idx.msk [tilespmem:v7+s5+$0x0], $0xffff  }
0x47: {  	v28 =	vld.idx.msk [tilespmem:v22+s5+$0x0], $0xffff  }
0x48: {  	v22 =	vld.idx.msk [tilespmem:v35+s5+$0x0], $0xffff  }
0x49: {  	v63 =	vor.u32 $0x3, v14;
	v27 =	vld.idx.msk [tilespmem:v27+s5+$0x0], $0xffff;
	[tilespmem:v14+s18+$0x0] =	vst.idx.msk $0xffff, v29  }
0x4a: {  	v37 =	vor.u32 $0x4, v14;
	[tilespmem:v31+s18+$0x0] =	vst.idx.msk $0xffff, v30  }
0x4b: {  	[tilespmem:v36+s18+$0x0] =	vst.idx.msk $0xffff, v34;
	v34 =	vor.u32 $0x5, v14  }
0x4c: {  	v31 =	vor.u32 $0x6, v14  }
0x4d: {  	v30 =	vor.u32 $0x7, v14  }
0x4e: {  	v35 =	vor.u32 $0x8, v14;
	[tilespmem:v63+s18+$0x0] =	vst.idx.msk $0xffff, v32  }
0x4f: {  	s26 =	simm.s32 $0x10;
	s25 =	sshll.u32 s24, $0xD;
	v29 =	vor.u32 $0xB, v14;
	v32 =	vor.u32 $0x9, v14;
	[tilespmem:v37+s18+$0x0] =	vst.idx.msk $0xffff, v33;
	v33 =	vor.u32 $0xA, v14  }
.LBB2_3:
0x50: {  	p2 =	sne.s32 s26, $0x1F0;
	[tilespmem:v34+s18+$0x0] =	vst.idx.msk $0xffff, v15;
	s28 =	smov.u32 s26;
	s26 =	sadd.s32 $0x10, s26  }
0x51: {  	[tilespmem:v31+s18+$0x0] =	vst.idx.msk $0xffff, v12;
	v12 =	vor.u32 $0xC, v14  }
0x52: {  	v15 =	vor.u32 $0xD, v14;
	[tilespmem:v30+s18+$0x0] =	vst.idx.msk $0xffff, v24  }
0x53: {  	[tilespmem:v35+s18+$0x0] =	vst.idx.msk $0xffff, v23;
	v23 =	vor.u32 $0xE, v14  }
0x54: {  	[tilespmem:v32+s18+$0x0] =	vst.idx.msk $0xffff, v19;
	v19 =	vor.u32 $0xF, v14  }
0x55: {  	[tilespmem:v33+s18+$0x0] =	vst.idx.msk $0xffff, v16;
	v16 =	vor.u32 $0x10, v14  }
0x56: {  	v24 =	vor.u32 $0x11, v14;
	[tilespmem:v29+s18+$0x0] =	vst.idx.msk $0xffff, v28  }
0x57: {  	[tilespmem:v12+s18+$0x0] =	vst.idx.msk $0xffff, v20;
	v12 =	vor.u32 $0x12, v14  }
0x58: {  	[tilespmem:v15+s18+$0x0] =	vst.idx.msk $0xffff, v25;
	v15 =	vor.u32 $0x13, v14  }
0x59: {  	v20 =	vor.u32 $0x14, v14;
	[tilespmem:v23+s18+$0x0] =	vst.idx.msk $0xffff, v21  }
0x5a: {  	[tilespmem:v19+s18+$0x0] =	vst.idx.msk $0xffff, v11;
	v11 =	vor.u32 $0x15, v14  }
0x5b: {  	[tilespmem:v16+s18+$0x0] =	vst.idx.msk $0xffff, v27;
	v16 =	vor.u32 $0x16, v14  }
0x5c: {  	v19 =	vor.u32 $0x17, v14;
	[tilespmem:v24+s18+$0x0] =	vst.idx.msk $0xffff, v26  }
0x5d: {  	[tilespmem:v12+s18+$0x0] =	vst.idx.msk $0xffff, v22;
	v12 =	vor.u32 $0x18, v14  }
0x5e: {  	[tilespmem:v15+s18+$0x0] =	vst.idx.msk $0xffff, v10;
	v10 =	vor.u32 $0x19, v14  }
0x5f: {  	[tilespmem:v20+s18+$0x0] =	vst.idx.msk $0xffff, v6;
	v6 =	vor.u32 $0x1A, v14  }
0x60: {  	[tilespmem:v11+s18+$0x0] =	vst.idx.msk $0xffff, v18;
	v11 =	vor.u32 $0x1B, v14  }
0x61: {  	v15 =	vor.u32 $0x1C, v14;
	[tilespmem:v16+s18+$0x0] =	vst.idx.msk $0xffff, v17  }
0x62: {  	[tilespmem:v19+s18+$0x0] =	vst.idx.msk $0xffff, v8;
	v8 =	vor.u32 $0x1D, v14  }
0x63: {  	v16 =	vmov s28;
	[tilespmem:v12+s18+$0x0] =	vst.idx.msk $0xffff, v13;
	v12 =	vor.u32 $0x1E, v14  }
0x64: {  	v18 =	vor.u32 s28, v0;
	v13 =	vshll.u32 v16, $0x3;
	[tilespmem:v10+s18+$0x0] =	vst.idx.msk $0xffff, v9;
	v9 =	vor.u32 $0x1F, v14  }
0x65: {  	v10 =	vand.u32 $0x7F, v18;
	v14 =	vand.u32 $0xC00, v13;
	[tilespmem:v6+s18+$0x0] =	vst.idx.msk $0xffff, v5  }
0x66: {  	v5 =	vor.u32 v10, v14;
	v10 =	vor.u32 v13, v10;
	[tilespmem:v11+s18+$0x0] =	vst.idx.msk $0xffff, v3  }
0x67: {  	v3 =	vor.u32 $0x80, v5;
	v14 =	vor.u32 $0x100, v5;
	v6 =	vor.u32 $0x180, v5;
	[tilespmem:v15+s18+$0x0] =	vst.idx.msk $0xffff, v7  }
0x68: {  	v11 =	vor.u32 $0x280, v5;
	v13 =	vor.u32 $0x300, v5;
	v7 =	vor.u32 $0x200, v5;
	[tilespmem:v8+s18+$0x0] =	vst.idx.msk $0xffff, v4  }
0x69: {  	v17 =	vor.u32 $0x1000, v5;
	v4 =	vor.u32 $0x1080, v5;
	v8 =	vor.u32 $0x1100, v5;
	[tilespmem:v12+s18+$0x0] =	vst.idx.msk $0xffff, v2  }
0x6a: {  	v22 =	vor.u32 $0x1180, v5;
	v25 =	vor.u32 $0x1280, v5;
	v21 =	vor.u32 $0x1300, v5;
	[tilespmem:v9+s18+$0x0] =	vst.idx.msk $0xffff, v1  }
0x6b: {  	v27 =	vor.u32 $0x2000, v5;
	v26 =	vor.u32 $0x2080, v5;
	v31 =	vor.u32 $0x2100, v5;
	v30 =	vld.idx.msk [tilespmem:v5+s5+$0x0], $0xffff  }
0x6c: {  	v20 =	vor.u32 $0x1200, v5;
	v9 =	vor.u32 $0x2180, v5;
	v1 =	vor.u32 $0x2200, v5;
	v32 =	vld.idx.msk [tilespmem:v6+s5+$0x0], $0xffff  }
0x6d: {  	v28 =	vor.u32 $0x2280, v5;
	v29 =	vor.u32 $0x2300, v5;
	v12 =	vld.idx.msk [tilespmem:v13+s5+$0x0], $0xffff;
	v13 =	vor.u32 $0x3000, v5  }
0x6e: {  	v33 =	vor.u32 $0x3080, v5;
	v19 =	vor.u32 $0x3100, v5;
	v2 =	vor.u32 $0x3180, v5;
	v15 =	vld.idx.msk [tilespmem:v11+s5+$0x0], $0xffff  }
0x6f: {  	v23 =	vor.u32 $0x380, v10;
	v24 =	vor.u32 $0x3200, v5;
	v11 =	vor.u32 $0x1380, v10;
	v35 =	vld.idx.msk [tilespmem:v3+s5+$0x0], $0xffff  }
0x70: {  	v34 =	vor.u32 $0x3280, v5;
	v5 =	vor.u32 $0x3300, v5;
	v36 =	vld.idx.msk [tilespmem:v7+s5+$0x0], $0xffff;
	v7 =	vor.u32 $0x2380, v10  }
0x71: {  	v6 =	vld.idx.msk [tilespmem:v1+s5+$0x0], $0xffff;
	v1 =	vor.u32 $0x3380, v10  }
0x72: {  	v16 =	vld.idx.msk [tilespmem:v8+s5+$0x0], $0xffff  }
0x73: {  	v3 =	vld.idx.msk [tilespmem:v2+s5+$0x0], $0xffff  }
0x74: {  	v11 =	vld.idx.msk [tilespmem:v11+s5+$0x0], $0xffff  }
0x75: {  	v2 =	vld.idx.msk [tilespmem:v5+s5+$0x0], $0xffff  }
0x76: {  	v1 =	vld.idx.msk [tilespmem:v1+s5+$0x0], $0xffff  }
0x77: {  	v5 =	vld.idx.msk [tilespmem:v19+s5+$0x0], $0xffff  }
0x78: {  	v10 =	vld.idx.msk [tilespmem:v9+s5+$0x0], $0xffff  }
0x79: {  	v19 =	vld.idx.msk [tilespmem:v4+s5+$0x0], $0xffff  }
0x7a: {  	v4 =	vld.idx.msk [tilespmem:v34+s5+$0x0], $0xffff  }
0x7b: {  	v8 =	vld.idx.msk [tilespmem:v7+s5+$0x0], $0xffff  }
0x7c: {  	v7 =	vld.idx.msk [tilespmem:v24+s5+$0x0], $0xffff  }
0x7d: {  	v24 =	vld.idx.msk [tilespmem:v23+s5+$0x0], $0xffff  }
0x7e: {  	v23 =	vld.idx.msk [tilespmem:v17+s5+$0x0], $0xffff  }
0x7f: {  	v9 =	vld.idx.msk [tilespmem:v33+s5+$0x0], $0xffff  }
0x80: {  	v20 =	vld.idx.msk [tilespmem:v20+s5+$0x0], $0xffff  }
0x81: {  	v13 =	vld.idx.msk [tilespmem:v13+s5+$0x0], $0xffff  }
0x82: {  	v33 =	vld.idx.msk [tilespmem:v14+s5+$0x0], $0xffff  }
0x83: {  	v21 =	vld.idx.msk [tilespmem:v21+s5+$0x0], $0xffff  }
0x84: {  	v17 =	vld.idx.msk [tilespmem:v29+s5+$0x0], $0xffff  }
0x85: {  	v14 =	vshll.u32 v18, $0x5;
	v25 =	vld.idx.msk [tilespmem:v25+s5+$0x0], $0xffff  }
0x86: {  	v37 =	vor.u32 $0x1, v14;
	v29 =	vor.u32 $0xB, v14;
	v18 =	vld.idx.msk [tilespmem:v28+s5+$0x0], $0xffff  }
0x87: {  	v38 =	vor.u32 $0x2, v14;
	v28 =	vld.idx.msk [tilespmem:v22+s5+$0x0], $0xffff  }
0x88: {  	v39 =	vor.u32 $0x3, v14;
	v22 =	vld.idx.msk [tilespmem:v31+s5+$0x0], $0xffff  }
0x89: {  	v40 =	vor.u32 $0x4, v14;
	v26 =	vld.idx.msk [tilespmem:v26+s5+$0x0], $0xffff  }
0x8a: {  	v34 =	vor.u32 $0x5, v14;
	v27 =	vld.idx.msk [tilespmem:v27+s5+$0x0], $0xffff  }
.Ltmp2:
0x8b: {  	v31 =	vor.u32 $0x6, v14;
	[tilespmem:v14+s18+$0x0] =	vst.idx.msk $0xffff, v30;
	(pc) =	sbr.rel @p2 .LBB2_3-.Ltmp2, $4  }
0x8c: {  	v30 =	vor.u32 $0x7, v14;
	[tilespmem:v37+s18+$0x0] =	vst.idx.msk $0xffff, v35  }
0x8d: {  	v35 =	vor.u32 $0x8, v14;
	[tilespmem:v38+s18+$0x0] =	vst.idx.msk $0xffff, v33  }
0x8e: {  	[tilespmem:v39+s18+$0x0] =	vst.idx.msk $0xffff, v32;
	v32 =	vor.u32 $0x9, v14  }
0x8f: {  	v33 =	vor.u32 $0xA, v14;
	[tilespmem:v40+s18+$0x0] =	vst.idx.msk $0xffff, v36  }
0x90: {  	_ =	sdelay $0x3  }
0x91: {  	[tilespmem:v34+s18+$0x0] =	vst.idx.msk $0xffff, v15  }
0x92: {  	[tilespmem:v31+s18+$0x0] =	vst.idx.msk $0xffff, v12  }
0x93: {  	v44 =	vor.u32 $0xC, v14;
	[tilespmem:v30+s18+$0x0] =	vst.idx.msk $0xffff, v24  }
0x94: {  	v45 =	vor.u32 $0xD, v14;
	[tilespmem:v35+s18+$0x0] =	vst.idx.msk $0xffff, v23  }
0x95: {  	v46 =	vor.u32 $0xE, v14;
	[tilespmem:v32+s18+$0x0] =	vst.idx.msk $0xffff, v19  }
0x96: {  	v47 =	vor.u32 $0xF, v14;
	[tilespmem:v33+s18+$0x0] =	vst.idx.msk $0xffff, v16  }
0x97: {  	v48 =	vor.u32 $0x10, v14;
	[tilespmem:v29+s18+$0x0] =	vst.idx.msk $0xffff, v28  }
0x98: {  	v49 =	vor.u32 $0x11, v14;
	[tilespmem:v44+s18+$0x0] =	vst.idx.msk $0xffff, v20  }
0x99: {  	v50 =	vor.u32 $0x12, v14;
	[tilespmem:v45+s18+$0x0] =	vst.idx.msk $0xffff, v25  }
0x9a: {  	v51 =	vor.u32 $0x13, v14;
	[tilespmem:v46+s18+$0x0] =	vst.idx.msk $0xffff, v21  }
0x9b: {  	v52 =	vor.u32 $0x14, v14;
	[tilespmem:v47+s18+$0x0] =	vst.idx.msk $0xffff, v11  }
0x9c: {  	v53 =	vor.u32 $0x15, v14;
	[tilespmem:v48+s18+$0x0] =	vst.idx.msk $0xffff, v27  }
0x9d: {  	v54 =	vor.u32 $0x16, v14;
	[tilespmem:v49+s18+$0x0] =	vst.idx.msk $0xffff, v26  }
0x9e: {  	v55 =	vor.u32 $0x17, v14;
	[tilespmem:v50+s18+$0x0] =	vst.idx.msk $0xffff, v22  }
0x9f: {  	v56 =	vor.u32 $0x18, v14;
	[tilespmem:v51+s18+$0x0] =	vst.idx.msk $0xffff, v10  }
0xa0: {  	v57 =	vor.u32 $0x19, v14;
	[tilespmem:v52+s18+$0x0] =	vst.idx.msk $0xffff, v6  }
0xa1: {  	v58 =	vor.u32 $0x1A, v14;
	[tilespmem:v53+s18+$0x0] =	vst.idx.msk $0xffff, v18  }
0xa2: {  	v59 =	vor.u32 $0x1B, v14;
	[tilespmem:v54+s18+$0x0] =	vst.idx.msk $0xffff, v17  }
0xa3: {  	v60 =	vor.u32 $0x1C, v14;
	[tilespmem:v55+s18+$0x0] =	vst.idx.msk $0xffff, v8  }
0xa4: {  	v61 =	vor.u32 $0x1D, v14;
	[tilespmem:v56+s18+$0x0] =	vst.idx.msk $0xffff, v13  }
0xa5: {  	v62 =	vor.u32 $0x1E, v14;
	[tilespmem:v57+s18+$0x0] =	vst.idx.msk $0xffff, v9  }
0xa6: {  	v63 =	vor.u32 $0x1F, v14;
	[tilespmem:v58+s18+$0x0] =	vst.idx.msk $0xffff, v5  }
0xa7: {  	p2 =	sne.s32 s24, $0x1E;
	[tilespmem:v59+s18+$0x0] =	vst.idx.msk $0xffff, v3  }
.Ltmp3:
0xa8: {  	s26 =	sshll.u32 s24, $0xF;
	[tilespmem:v60+s18+$0x0] =	vst.idx.msk $0xffff, v7;
	(pc) =	sbr.rel @p2 .LBB2_6-.Ltmp3, $4  }
0xa9: {  	s26 =	sadd.s32 s8, s26;
	[tilespmem:v61+s18+$0x0] =	vst.idx.msk $0xffff, v4  }
0xaa: {  	s26 =	sshrl.u32 s26, $0x3;
	[tilespmem:v62+s18+$0x0] =	vst.idx.msk $0xffff, v2  }
0xab: {  	s26 =	sadd.s32 s4, s26;
	[tilespmem:v63+s18+$0x0] =	vst.idx.msk $0xffff, v1  }
0xac: {  	[hbm4b:s26+s5] =	stream.linear.scatter [tilespmem:s18], [sflag:$0x3], $0x4000, $0x38;
	[tilespmem:$0x10000] =	vst v63  }
.Ltmp4:
0xad: {  	(pc) =	sbr.rel .LBB2_7-.Ltmp4, $4  }
0xae: {  	_ = 	snop  }
0xaf: {  	_ =	swait.ge [sflag:s19], $0x4000  }
0xb0: {  	[sflag:s19] =	ssyncset.done $0x0  }
0xb1: {  	[sflag:s19] =	ssyncadd.s32 $0xFFFFC000  }
.LBB2_6:
0xb2: {  	s26 =	sadd.s32 s25, s9  }
0xb3: {  	s26 =	sshrl.u32 s26, $0x3  }
.Ltmp5:
0xb4: {  	s26 =	sadd.s32 s1, s26;
	(pc) =	sbr.rel @p1 .LBB2_8-.Ltmp5, $4  }
0xb5: {  	[tilespmem:s5], [sflag:$0x1] =	stream.strided.gather [hbm4b:s26+s14], $0x4000, s15, s14, $0x38;
	[tilespmem:$0x10000] =	vst v63  }
0xb6: {  	_ =	swait.ge [sflag:s19], $0x4000  }
0xb7: {  	[sflag:s19] =	ssyncset.done $0x0  }
0xb8: {  	[sflag:s19] =	ssyncadd.s32 $0xFFFFC000  }
.LBB2_7:
0xb9: {  	_ =	swait.ge [sflag:s20], $0x4000  }
0xba: {  	[sflag:s20] =	ssyncset.done $0x0  }
0xbb: {  	[sflag:s20] =	ssyncadd.s32 $0xFFFFC000  }
.LBB2_8:
0xbc: {  	s26 =	simm.s32 $0x0  }
0xbd: {  	v1 =	vmov s26  }
0xbe: {  	v14 =	vor.u32 s26, v0;
	v1 =	vshll.u32 v1, $0x3  }
0xbf: {  	v2 =	vand.u32 $0x7F, v14;
	v3 =	vand.u32 $0xC00, v1  }
0xc0: {  	v18 =	vor.u32 v2, v3  }
0xc1: {  	v3 =	vor.u32 $0x180, v18  }
0xc2: {  	v4 =	vor.u32 $0x300, v18  }
0xc3: {  	v5 =	vor.u32 $0x280, v18  }
0xc4: {  	v6 =	vor.u32 $0x80, v18  }
0xc5: {  	v7 =	vor.u32 $0x200, v18;
	v29 =	vld.idx.msk [tilespmem:v18+s16+$0x0], $0xffff  }
0xc6: {  	v8 =	vor.u32 $0x1100, v18;
	v31 =	vld.idx.msk [tilespmem:v3+s16+$0x0], $0xffff  }
0xc7: {  	v13 =	vor.u32 $0x1080, v18;
	v12 =	vld.idx.msk [tilespmem:v4+s16+$0x0], $0xffff  }
0xc8: {  	v21 =	vor.u32 $0x1000, v18;
	v15 =	vld.idx.msk [tilespmem:v5+s16+$0x0], $0xffff  }
0xc9: {  	v25 =	vor.u32 $0x100, v18;
	v30 =	vld.idx.msk [tilespmem:v6+s16+$0x0], $0xffff  }
0xca: {  	v26 =	vor.u32 $0x1300, v18;
	v32 =	vld.idx.msk [tilespmem:v7+s16+$0x0], $0xffff  }
0xcb: {  	v28 =	vor.u32 $0x1280, v18;
	v16 =	vld.idx.msk [tilespmem:v8+s16+$0x0], $0xffff  }
0xcc: {  	v3 =	vor.u32 $0x2200, v18;
	v19 =	vld.idx.msk [tilespmem:v13+s16+$0x0], $0xffff  }
0xcd: {  	v4 =	vor.u32 v1, v2;
	v1 =	vor.u32 $0x3180, v18;
	v23 =	vld.idx.msk [tilespmem:v21+s16+$0x0], $0xffff  }
0xce: {  	v8 =	vor.u32 $0x2180, v18;
	v34 =	vld.idx.msk [tilespmem:v25+s16+$0x0], $0xffff  }
0xcf: {  	v21 =	vld.idx.msk [tilespmem:v26+s16+$0x0], $0xffff;
	v2 =	vor.u32 $0x1380, v4  }
0xd0: {  	v5 =	vor.u32 $0x3300, v18;
	v25 =	vld.idx.msk [tilespmem:v28+s16+$0x0], $0xffff  }
0xd1: {  	v9 =	vor.u32 $0x3100, v18;
	v6 =	vld.idx.msk [tilespmem:v3+s16+$0x0], $0xffff  }
0xd2: {  	v26 =	vor.u32 $0x2080, v18;
	v3 =	vld.idx.msk [tilespmem:v1+s16+$0x0], $0xffff  }
0xd3: {  	v7 =	vor.u32 $0x3380, v4;
	v10 =	vld.idx.msk [tilespmem:v8+s16+$0x0], $0xffff  }
0xd4: {  	v17 =	vor.u32 $0x3280, v18;
	v11 =	vld.idx.msk [tilespmem:v2+s16+$0x0], $0xffff  }
0xd5: {  	v20 =	vor.u32 $0x2380, v4;
	v2 =	vld.idx.msk [tilespmem:v5+s16+$0x0], $0xffff  }
0xd6: {  	v5 =	vld.idx.msk [tilespmem:v9+s16+$0x0], $0xffff;
	v9 =	vor.u32 $0x380, v4  }
0xd7: {  	v13 =	vor.u32 $0x3080, v18;
	v26 =	vld.idx.msk [tilespmem:v26+s16+$0x0], $0xffff  }
0xd8: {  	v22 =	vor.u32 $0x3000, v18;
	v1 =	vld.idx.msk [tilespmem:v7+s16+$0x0], $0xffff  }
0xd9: {  	v4 =	vld.idx.msk [tilespmem:v17+s16+$0x0], $0xffff;
	v17 =	vor.u32 $0x1200, v18  }
0xda: {  	v27 =	vor.u32 $0x2300, v18;
	v8 =	vld.idx.msk [tilespmem:v20+s16+$0x0], $0xffff  }
0xdb: {  	v7 =	vor.u32 $0x3200, v18;
	v24 =	vld.idx.msk [tilespmem:v9+s16+$0x0], $0xffff  }
0xdc: {  	v33 =	vor.u32 $0x2280, v18;
	v9 =	vld.idx.msk [tilespmem:v13+s16+$0x0], $0xffff  }
0xdd: {  	v13 =	vld.idx.msk [tilespmem:v22+s16+$0x0], $0xffff;
	v22 =	vor.u32 $0x1180, v18  }
0xde: {  	v35 =	vor.u32 $0x2100, v18;
	v20 =	vld.idx.msk [tilespmem:v17+s16+$0x0], $0xffff  }
0xdf: {  	v14 =	vshll.u32 v14, $0x5;
	v17 =	vld.idx.msk [tilespmem:v27+s16+$0x0], $0xffff;
	v27 =	vor.u32 $0x2000, v18  }
0xe0: {  	v63 =	vor.u32 $0x1, v14;
	v7 =	vld.idx.msk [tilespmem:v7+s16+$0x0], $0xffff  }
0xe1: {  	v36 =	vor.u32 $0x2, v14;
	v18 =	vld.idx.msk [tilespmem:v33+s16+$0x0], $0xffff  }
0xe2: {  	v37 =	vor.u32 $0x3, v14;
	v28 =	vld.idx.msk [tilespmem:v22+s16+$0x0], $0xffff  }
0xe3: {  	v38 =	vor.u32 $0x4, v14;
	v22 =	vld.idx.msk [tilespmem:v35+s16+$0x0], $0xffff  }
0xe4: {  	v27 =	vld.idx.msk [tilespmem:v27+s16+$0x0], $0xffff;
	[tilespmem:v14+s21+$0x0] =	vst.idx.msk $0xffff, v29;
	v35 =	vor.u32 $0x5, v14  }
0xe5: {  	v33 =	vor.u32 $0x6, v14;
	[tilespmem:v63+s21+$0x0] =	vst.idx.msk $0xffff, v30  }
0xe6: {  	v30 =	vor.u32 $0x7, v14;
	[tilespmem:v36+s21+$0x0] =	vst.idx.msk $0xffff, v34  }
0xe7: {  	v34 =	vor.u32 $0x8, v14;
	[tilespmem:v37+s21+$0x0] =	vst.idx.msk $0xffff, v31  }
0xe8: {  	s26 =	simm.s32 $0x10;
	v29 =	vor.u32 $0xB, v14;
	v31 =	vor.u32 $0x9, v14;
	[tilespmem:v38+s21+$0x0] =	vst.idx.msk $0xffff, v32;
	v32 =	vor.u32 $0xA, v14  }
.LBB2_9:
0xe9: {  	p1 =	sne.s32 s26, $0x1F0;
	[tilespmem:v35+s21+$0x0] =	vst.idx.msk $0xffff, v15;
	s28 =	smov.u32 s26;
	s26 =	sadd.s32 $0x10, s26  }
0xea: {  	[tilespmem:v33+s21+$0x0] =	vst.idx.msk $0xffff, v12;
	v12 =	vor.u32 $0xC, v14  }
0xeb: {  	v15 =	vor.u32 $0xD, v14;
	[tilespmem:v30+s21+$0x0] =	vst.idx.msk $0xffff, v24  }
0xec: {  	[tilespmem:v34+s21+$0x0] =	vst.idx.msk $0xffff, v23;
	v23 =	vor.u32 $0xE, v14  }
0xed: {  	[tilespmem:v31+s21+$0x0] =	vst.idx.msk $0xffff, v19;
	v19 =	vor.u32 $0xF, v14  }
0xee: {  	[tilespmem:v32+s21+$0x0] =	vst.idx.msk $0xffff, v16;
	v16 =	vor.u32 $0x10, v14  }
0xef: {  	v24 =	vor.u32 $0x11, v14;
	[tilespmem:v29+s21+$0x0] =	vst.idx.msk $0xffff, v28  }
0xf0: {  	[tilespmem:v12+s21+$0x0] =	vst.idx.msk $0xffff, v20;
	v12 =	vor.u32 $0x12, v14  }
0xf1: {  	[tilespmem:v15+s21+$0x0] =	vst.idx.msk $0xffff, v25;
	v15 =	vor.u32 $0x13, v14  }
0xf2: {  	v20 =	vor.u32 $0x14, v14;
	[tilespmem:v23+s21+$0x0] =	vst.idx.msk $0xffff, v21  }
0xf3: {  	[tilespmem:v19+s21+$0x0] =	vst.idx.msk $0xffff, v11;
	v11 =	vor.u32 $0x15, v14  }
0xf4: {  	[tilespmem:v16+s21+$0x0] =	vst.idx.msk $0xffff, v27;
	v16 =	vor.u32 $0x16, v14  }
0xf5: {  	v19 =	vor.u32 $0x17, v14;
	[tilespmem:v24+s21+$0x0] =	vst.idx.msk $0xffff, v26  }
0xf6: {  	[tilespmem:v12+s21+$0x0] =	vst.idx.msk $0xffff, v22;
	v12 =	vor.u32 $0x18, v14  }
0xf7: {  	[tilespmem:v15+s21+$0x0] =	vst.idx.msk $0xffff, v10;
	v10 =	vor.u32 $0x19, v14  }
0xf8: {  	[tilespmem:v20+s21+$0x0] =	vst.idx.msk $0xffff, v6;
	v6 =	vor.u32 $0x1A, v14  }
0xf9: {  	[tilespmem:v11+s21+$0x0] =	vst.idx.msk $0xffff, v18;
	v11 =	vor.u32 $0x1B, v14  }
0xfa: {  	v15 =	vor.u32 $0x1C, v14;
	[tilespmem:v16+s21+$0x0] =	vst.idx.msk $0xffff, v17  }
0xfb: {  	[tilespmem:v19+s21+$0x0] =	vst.idx.msk $0xffff, v8;
	v8 =	vor.u32 $0x1D, v14  }
0xfc: {  	v16 =	vmov s28;
	[tilespmem:v12+s21+$0x0] =	vst.idx.msk $0xffff, v13;
	v12 =	vor.u32 $0x1E, v14  }
0xfd: {  	v18 =	vor.u32 s28, v0;
	v13 =	vshll.u32 v16, $0x3;
	[tilespmem:v10+s21+$0x0] =	vst.idx.msk $0xffff, v9;
	v9 =	vor.u32 $0x1F, v14  }
0xfe: {  	v10 =	vand.u32 $0x7F, v18;
	v14 =	vand.u32 $0xC00, v13;
	[tilespmem:v6+s21+$0x0] =	vst.idx.msk $0xffff, v5  }
0xff: {  	v5 =	vor.u32 v10, v14;
	v10 =	vor.u32 v13, v10;
	[tilespmem:v11+s21+$0x0] =	vst.idx.msk $0xffff, v3  }
0x100: {  	v3 =	vor.u32 $0x80, v5;
	v14 =	vor.u32 $0x100, v5;
	v6 =	vor.u32 $0x180, v5;
	[tilespmem:v15+s21+$0x0] =	vst.idx.msk $0xffff, v7  }
0x101: {  	v11 =	vor.u32 $0x280, v5;
	v13 =	vor.u32 $0x300, v5;
	v7 =	vor.u32 $0x200, v5;
	[tilespmem:v8+s21+$0x0] =	vst.idx.msk $0xffff, v4  }
0x102: {  	v17 =	vor.u32 $0x1000, v5;
	v4 =	vor.u32 $0x1080, v5;
	v8 =	vor.u32 $0x1100, v5;
	[tilespmem:v12+s21+$0x0] =	vst.idx.msk $0xffff, v2  }
0x103: {  	v22 =	vor.u32 $0x1180, v5;
	v25 =	vor.u32 $0x1280, v5;
	v21 =	vor.u32 $0x1300, v5;
	[tilespmem:v9+s21+$0x0] =	vst.idx.msk $0xffff, v1  }
0x104: {  	v27 =	vor.u32 $0x2000, v5;
	v26 =	vor.u32 $0x2080, v5;
	v31 =	vor.u32 $0x2100, v5;
	v30 =	vld.idx.msk [tilespmem:v5+s16+$0x0], $0xffff  }
0x105: {  	v20 =	vor.u32 $0x1200, v5;
	v9 =	vor.u32 $0x2180, v5;
	v1 =	vor.u32 $0x2200, v5;
	v32 =	vld.idx.msk [tilespmem:v6+s16+$0x0], $0xffff  }
0x106: {  	v28 =	vor.u32 $0x2280, v5;
	v29 =	vor.u32 $0x2300, v5;
	v12 =	vld.idx.msk [tilespmem:v13+s16+$0x0], $0xffff;
	v13 =	vor.u32 $0x3000, v5  }
0x107: {  	v33 =	vor.u32 $0x3080, v5;
	v19 =	vor.u32 $0x3100, v5;
	v2 =	vor.u32 $0x3180, v5;
	v15 =	vld.idx.msk [tilespmem:v11+s16+$0x0], $0xffff  }
0x108: {  	v23 =	vor.u32 $0x380, v10;
	v24 =	vor.u32 $0x3200, v5;
	v11 =	vor.u32 $0x1380, v10;
	v34 =	vld.idx.msk [tilespmem:v3+s16+$0x0], $0xffff  }
0x109: {  	v35 =	vor.u32 $0x3280, v5;
	v5 =	vor.u32 $0x3300, v5;
	v36 =	vld.idx.msk [tilespmem:v7+s16+$0x0], $0xffff;
	v7 =	vor.u32 $0x2380, v10  }
0x10a: {  	v6 =	vld.idx.msk [tilespmem:v1+s16+$0x0], $0xffff;
	v1 =	vor.u32 $0x3380, v10  }
0x10b: {  	v16 =	vld.idx.msk [tilespmem:v8+s16+$0x0], $0xffff  }
0x10c: {  	v3 =	vld.idx.msk [tilespmem:v2+s16+$0x0], $0xffff  }
0x10d: {  	v11 =	vld.idx.msk [tilespmem:v11+s16+$0x0], $0xffff  }
0x10e: {  	v2 =	vld.idx.msk [tilespmem:v5+s16+$0x0], $0xffff  }
0x10f: {  	v1 =	vld.idx.msk [tilespmem:v1+s16+$0x0], $0xffff  }
0x110: {  	v5 =	vld.idx.msk [tilespmem:v19+s16+$0x0], $0xffff  }
0x111: {  	v10 =	vld.idx.msk [tilespmem:v9+s16+$0x0], $0xffff  }
0x112: {  	v19 =	vld.idx.msk [tilespmem:v4+s16+$0x0], $0xffff  }
0x113: {  	v4 =	vld.idx.msk [tilespmem:v35+s16+$0x0], $0xffff  }
0x114: {  	v8 =	vld.idx.msk [tilespmem:v7+s16+$0x0], $0xffff  }
0x115: {  	v7 =	vld.idx.msk [tilespmem:v24+s16+$0x0], $0xffff  }
0x116: {  	v24 =	vld.idx.msk [tilespmem:v23+s16+$0x0], $0xffff  }
0x117: {  	v23 =	vld.idx.msk [tilespmem:v17+s16+$0x0], $0xffff  }
0x118: {  	v9 =	vld.idx.msk [tilespmem:v33+s16+$0x0], $0xffff  }
0x119: {  	v20 =	vld.idx.msk [tilespmem:v20+s16+$0x0], $0xffff  }
0x11a: {  	v13 =	vld.idx.msk [tilespmem:v13+s16+$0x0], $0xffff  }
0x11b: {  	v37 =	vld.idx.msk [tilespmem:v14+s16+$0x0], $0xffff  }
0x11c: {  	v21 =	vld.idx.msk [tilespmem:v21+s16+$0x0], $0xffff  }
0x11d: {  	v17 =	vld.idx.msk [tilespmem:v29+s16+$0x0], $0xffff  }
0x11e: {  	v14 =	vshll.u32 v18, $0x5;
	v25 =	vld.idx.msk [tilespmem:v25+s16+$0x0], $0xffff  }
0x11f: {  	v38 =	vor.u32 $0x1, v14;
	v29 =	vor.u32 $0xB, v14;
	v18 =	vld.idx.msk [tilespmem:v28+s16+$0x0], $0xffff  }
0x120: {  	v39 =	vor.u32 $0x2, v14;
	v28 =	vld.idx.msk [tilespmem:v22+s16+$0x0], $0xffff  }
0x121: {  	v22 =	vld.idx.msk [tilespmem:v31+s16+$0x0], $0xffff;
	v31 =	vor.u32 $0x3, v14  }
0x122: {  	v40 =	vor.u32 $0x4, v14;
	v26 =	vld.idx.msk [tilespmem:v26+s16+$0x0], $0xffff  }
0x123: {  	v35 =	vor.u32 $0x5, v14;
	v27 =	vld.idx.msk [tilespmem:v27+s16+$0x0], $0xffff  }
.Ltmp6:
0x124: {  	v33 =	vor.u32 $0x6, v14;
	[tilespmem:v14+s21+$0x0] =	vst.idx.msk $0xffff, v30;
	(pc) =	sbr.rel @p1 .LBB2_9-.Ltmp6, $4  }
0x125: {  	v30 =	vor.u32 $0x7, v14;
	[tilespmem:v38+s21+$0x0] =	vst.idx.msk $0xffff, v34  }
0x126: {  	v34 =	vor.u32 $0x8, v14;
	[tilespmem:v39+s21+$0x0] =	vst.idx.msk $0xffff, v37  }
0x127: {  	[tilespmem:v31+s21+$0x0] =	vst.idx.msk $0xffff, v32;
	v31 =	vor.u32 $0x9, v14  }
0x128: {  	v32 =	vor.u32 $0xA, v14;
	[tilespmem:v40+s21+$0x0] =	vst.idx.msk $0xffff, v36  }
0x129: {  	_ =	sdelay $0x3  }
0x12a: {  	[tilespmem:v35+s21+$0x0] =	vst.idx.msk $0xffff, v15  }
0x12b: {  	[tilespmem:v33+s21+$0x0] =	vst.idx.msk $0xffff, v12  }
0x12c: {  	v44 =	vor.u32 $0xC, v14;
	[tilespmem:v30+s21+$0x0] =	vst.idx.msk $0xffff, v24  }
0x12d: {  	v45 =	vor.u32 $0xD, v14;
	[tilespmem:v34+s21+$0x0] =	vst.idx.msk $0xffff, v23  }
0x12e: {  	v46 =	vor.u32 $0xE, v14;
	[tilespmem:v31+s21+$0x0] =	vst.idx.msk $0xffff, v19  }
0x12f: {  	v47 =	vor.u32 $0xF, v14;
	[tilespmem:v32+s21+$0x0] =	vst.idx.msk $0xffff, v16  }
0x130: {  	v48 =	vor.u32 $0x10, v14;
	[tilespmem:v29+s21+$0x0] =	vst.idx.msk $0xffff, v28  }
0x131: {  	v49 =	vor.u32 $0x11, v14;
	[tilespmem:v44+s21+$0x0] =	vst.idx.msk $0xffff, v20  }
0x132: {  	v50 =	vor.u32 $0x12, v14;
	[tilespmem:v45+s21+$0x0] =	vst.idx.msk $0xffff, v25  }
0x133: {  	v51 =	vor.u32 $0x13, v14;
	[tilespmem:v46+s21+$0x0] =	vst.idx.msk $0xffff, v21  }
0x134: {  	v52 =	vor.u32 $0x14, v14;
	[tilespmem:v47+s21+$0x0] =	vst.idx.msk $0xffff, v11  }
0x135: {  	v53 =	vor.u32 $0x15, v14;
	[tilespmem:v48+s21+$0x0] =	vst.idx.msk $0xffff, v27  }
0x136: {  	v54 =	vor.u32 $0x16, v14;
	[tilespmem:v49+s21+$0x0] =	vst.idx.msk $0xffff, v26  }
0x137: {  	v55 =	vor.u32 $0x17, v14;
	[tilespmem:v50+s21+$0x0] =	vst.idx.msk $0xffff, v22  }
0x138: {  	v56 =	vor.u32 $0x18, v14;
	[tilespmem:v51+s21+$0x0] =	vst.idx.msk $0xffff, v10  }
0x139: {  	v57 =	vor.u32 $0x19, v14;
	[tilespmem:v52+s21+$0x0] =	vst.idx.msk $0xffff, v6  }
0x13a: {  	v58 =	vor.u32 $0x1A, v14;
	[tilespmem:v53+s21+$0x0] =	vst.idx.msk $0xffff, v18  }
0x13b: {  	v59 =	vor.u32 $0x1B, v14;
	[tilespmem:v54+s21+$0x0] =	vst.idx.msk $0xffff, v17  }
0x13c: {  	v60 =	vor.u32 $0x1C, v14;
	[tilespmem:v55+s21+$0x0] =	vst.idx.msk $0xffff, v8  }
0x13d: {  	v61 =	vor.u32 $0x1D, v14;
	[tilespmem:v56+s21+$0x0] =	vst.idx.msk $0xffff, v13  }
0x13e: {  	v62 =	vor.u32 $0x1E, v14;
	[tilespmem:v57+s21+$0x0] =	vst.idx.msk $0xffff, v9  }
0x13f: {  	v63 =	vor.u32 $0x1F, v14;
	[tilespmem:v58+s21+$0x0] =	vst.idx.msk $0xffff, v5  }
0x140: {  	p1 =	seq.s32 s24, $0x1E;
	[tilespmem:v59+s21+$0x0] =	vst.idx.msk $0xffff, v3  }
.Ltmp7:
0x141: {  	[tilespmem:v60+s21+$0x0] =	vst.idx.msk $0xffff, v7;
	(pc) =	sbr.rel @p1 .LBB2_12-.Ltmp7, $4  }
0x142: {  	[tilespmem:v61+s21+$0x0] =	vst.idx.msk $0xffff, v4  }
0x143: {  	s26 =	sshll.u32 s24, $0xC;
	[tilespmem:v62+s21+$0x0] =	vst.idx.msk $0xffff, v2  }
0x144: {  	s26 =	sadd.s32 s13, s26;
	[tilespmem:v63+s21+$0x0] =	vst.idx.msk $0xffff, v1  }
0x145: {  	[hbm4b:s26+s5] =	stream.linear.scatter [tilespmem:s21], [sflag:$0x4], $0x4000, $0x38;
	[tilespmem:$0x10000] =	vst v63  }
.Ltmp8:
0x146: {  	(pc) =	sbr.rel .LBB2_2-.Ltmp8, $4  }
0x147: {  	s25 =	sadd.s32 s25, s10  }
0x148: {  	s25 =	sshrl.u32 s25, $0x3  }
0x149: {  	s24 =	sadd.s32 $0x1, s24;
	s25 =	sadd.s32 s1, s25  }
0x14a: {  	[tilespmem:s16], [sflag:$0x2] =	stream.strided.gather [hbm4b:s25+s14], $0x4000, s15, s14, $0x38;
	[tilespmem:$0x10000] =	vst v63  }
.LBB2_13:
0x14b: {  	_ =	sfence.sel $0x180000  }
0x14c: {  	[bflag:$0x0] =	sbarrier.arrive $0xFFFF  }
0x14d: {  	p0 =	sne.s32 s0, $0x0;
	_ =	strace $0x90000047  }
0x14e: {  	s0 =	sadd.s32 @!p0 $0x100000, s2;
	[bflag:$0x2] =	sbarrier.arrive $0xFFFF  }
0x14f: {  	[sflag:s0] =	ssyncadd.tile.s32 @!p0 $0x1;
	_ =	shalt  }
.Lfunc_end2:
_tile_overlayer_lowered:
.L_overlay_start_2:
0x150: {  	(tag) =	ssettag $0x2  }
0x151: {  	s0 =	rddreg [dreg:$0x0];
	s2 =	stileid.u32  }
0x152: {  	s1 =	rddreg [dreg:$0x1];
	p0 =	sne.s32 s2, $0x0  }
0x153: {  	s3 =	rddreg [dreg:$0x2];
	[bflag:$0x3] =	sbarrier.arrive $0xFFFF;
	s2 =	simm.s32 @!p0 $0x1C05  }
0x154: {  	[timem:s3], [sflag:s2] =	dma.local @!p0 [hbm:s0], s1  }
0x155: {  	s0 =	simm.s32 @!p0 $0x5  }
0x156: {  	_ =	swait.ge @!p0 [sflag:s0], s1  }
0x157: {  	s1 =	ssub.s32 @!p0 $0x0, s1;
	[sflag:s0] =	ssyncset.done @!p0 $0x0  }
0x158: {  	[sflag:s0] =	ssyncadd.s32 @!p0 s1  }
0x159: {  	[bflag:$0x3] =	sbarrier.arrive $0xFFFF  }
0x15a: {  	_ =	shalt  }

</sc_bundles>
